<compile_context>
chip_gen: v7x
topology: tpu7x:2x2x1
jax: 0.10.2.dev20260603
libtpu: 0.0.44.dev20260713+nightly
codegen_flags: <defaults>
</compile_context>

<pallas_src>
import functools

import jax
import jax.numpy as jnp
from jax import lax
from jax.experimental import pallas as pl
from jax.experimental.pallas import tpu as pltpu
from jax.experimental.pallas import tpu_sc as plsc

D = 64
NC, NS = 2, 16
NW = NC * NS
CHUNK = 128
NBUF = 5
L = 16


def _pair_table(emb, W, b):
    def body(emb_ref, w_ref, b_ref, out_ref):
        t = lax.dot_general(
            emb_ref[...], w_ref[...], (((1,), (1,)), ((), ())),
            preferred_element_type=jnp.float32) + b_ref[...]
        left = jnp.broadcast_to(t[:, None, :], (D, D, D))
        right = jnp.broadcast_to(t[None, :, :], (D, D, D))
        out_ref[...] = jnp.concatenate([left, right], axis=-1)

    return pl.pallas_call(
        body,
        out_shape=jax.ShapeDtypeStruct((D, D, 2 * D), jnp.float32),
    )(emb, W, b.reshape(1, D))


@functools.partial(jax.jit, static_argnames=("n_chunks",))
def _sc_gather(table2, packed, n_chunks):
    n_pairs_w = n_chunks * CHUNK
    n_rows = NW * n_pairs_w
    mesh = plsc.VectorSubcoreMesh(
        core_axis_name="c", subcore_axis_name="s",
        num_cores=NC, num_subcores=NS)

    @functools.partial(
        pl.kernel,
        out_type=jax.ShapeDtypeStruct((n_rows, 2 * D), jnp.float32),
        mesh=mesh,
        scratch_types=[
            pltpu.VMEM((n_pairs_w,), jnp.int32),
            pltpu.VMEM((NBUF, CHUNK, 2 * D), jnp.float32),
            pltpu.SemaphoreType.DMA((NBUF,)),
            pltpu.SemaphoreType.DMA((NBUF,)),
        ],
    )
    def k(table_hbm, pk_hbm, out_hbm, pidx_v, bufs, gsem, wsem):
        wid = lax.axis_index("s") * NC + lax.axis_index("c")
        base = wid * n_pairs_w
        pltpu.sync_copy(pk_hbm.at[pl.ds(base, n_pairs_w)], pidx_v)

        def pair_body(j, carry):
            s = pl.ds(j * L, L)
            v = pidx_v[s]
            pidx_v[s] = (v & 0xFFFF) * D + (v >> 16)
            return carry

        lax.fori_loop(0, n_pairs_w // L, pair_body, 0)

        def start_gather(ch, p):
            pltpu.async_copy(
                table_hbm.at[pidx_v.at[pl.ds(ch * CHUNK, CHUNK)]],
                bufs.at[p], gsem.at[p])

        def wait_gather(ch, p):
            pltpu.make_async_copy(
                table_hbm.at[pidx_v.at[pl.ds(ch * CHUNK, CHUNK)]],
                bufs.at[p], gsem.at[p]).wait()

        def out_slice(ch):
            return out_hbm.at[pl.ds(base + ch * CHUNK, CHUNK)]

        for p in range(NBUF):
            start_gather(p, p)

        def body(i, carry):
            for p in range(NBUF):
                ch = i * NBUF + p
                wait_gather(ch, p)
                pltpu.async_copy(bufs.at[p], out_slice(ch), wsem.at[p])
            for p in range(NBUF):
                ch = i * NBUF + p
                pltpu.make_async_copy(
                    bufs.at[p], out_slice(ch), wsem.at[p]).wait()
                start_gather((i + 1) * NBUF + p, p)
            return carry

        lax.fori_loop(0, n_chunks // NBUF - 1, body, 0)

        last = n_chunks - NBUF
        for p in range(NBUF):
            ch = last + p
            wait_gather(ch, p)
            pltpu.async_copy(bufs.at[p], out_slice(ch), wsem.at[p])
        for p in range(NBUF):
            ch = last + p
            pltpu.make_async_copy(
                bufs.at[p], out_slice(ch), wsem.at[p]).wait()

    return k(table2, packed)


NSPLIT = 4


def _unpair_shard(rows, j, bsz, seq, prev=None):
    BB = 32
    half = seq // 2
    hb = bsz // NSPLIT

    def body(r_ref, *rest):
        out_ref = rest[-1]
        v = r_ref[...]
        out_ref[0] = jnp.concatenate(
            [v[:, :D].reshape(BB, half, D),
             v[:, D:].reshape(BB, half, D)], axis=1)

    in_specs = [pl.BlockSpec((BB * half, 2 * D), lambda g: (g, 0))]
    args = [rows]
    aliases = {}
    if prev is not None:
        in_specs.append(pl.BlockSpec(memory_space=pl.ANY))
        args.append(prev)
        aliases = {1: 0}

    return pl.pallas_call(
        body,
        grid=(hb // BB,),
        in_specs=in_specs,
        out_specs=pl.BlockSpec(
            (1, BB, seq, D), lambda g: (j, g, 0, 0)),
        out_shape=jax.ShapeDtypeStruct((NSPLIT, hb, seq, D), jnp.float32),
        input_output_aliases=aliases,
    )(*args)


def kernel(x, emb, W, b):
    bsz, seq = x.shape
    n = bsz * seq
    half = seq // 2
    n_pairs = n // 2
    shard = n_pairs // NSPLIT
    n_chunks = shard // (NW * CHUNK)
    packed = lax.bitcast_convert_type(
        jnp.stack([x[:, :half], x[:, half:]], axis=-1).astype(jnp.int16),
        jnp.int32).reshape(n_pairs)
    table2 = _pair_table(emb, W, b).reshape(D * D, 2 * D)
    rows = [_sc_gather(table2, packed[j * shard:(j + 1) * shard], n_chunks)
            for j in range(NSPLIT)]
    u = _unpair_shard(rows[0], 0, bsz, seq)
    for j in range(1, NSPLIT):
        u = _unpair_shard(rows[j], j, bsz, seq, prev=u)
    return u.reshape(bsz, seq, D)

# --- scband reference (transcript-rebuilt; emitter-appended) ---
"""Pipeline reference for scband-hints-model-62466004353664 (READ-ONLY COPY).

The authoritative reference and input builder live on the scoring server;
editing this copy changes nothing except your own understanding.
"""

import jax, jax.numpy as jnp
import numpy as np

def setup_inputs(seed: int = 0) -> dict:
    key = jax.random.key(seed)
    k1, k2, k3, k4 = jax.random.split(key, 4)
    x = jax.random.randint(k1, (4096, 200), 0, 64, dtype=jnp.int64)
    # Embedding table: nn.Embedding(64, 64) -> N(0,1) init
    emb = jax.random.normal(k2, (64, 64), dtype=jnp.float32)
    # Linear(64, 64): weight [out, in], bias [out]
    bound = 1.0 / np.sqrt(64.0)
    W = jax.random.uniform(k3, (64, 64), dtype=jnp.float32, minval=-bound, maxval=bound)
    b = jax.random.uniform(k4, (64,), dtype=jnp.float32, minval=-bound, maxval=bound)
    return {"x": x, "emb": emb, "W": W, "b": b}

def reference(x, emb, W, b):
    # x: int64[B, L] -> embedding lookup -> [B, L, 64]
    h = jnp.take(emb, x, axis=0)
    # Linear: h @ W.T + b
    out = jnp.dot(h, W.T) + b
    return out

if __name__ == "__main__":
    import jax
    _d = setup_inputs()
    print(jax.jit(kernel)(*tuple(_d.values())))

</pallas_src>

<mosaic_0001>
#map = affine_map<(d0, d1) -> (0, 0)>
#map1 = affine_map<(d0, d1) -> (0)>
module attributes {stable_mosaic.version = 14 : i64} {
  func.func @k(%arg0: i32, %arg1: i32, %arg2: memref<4096x128xf32, #tpu.memory_space<hbm>>, %arg3: memref<102400xi32, #tpu.memory_space<hbm>>, %arg4: memref<102400x128xf32, #tpu.memory_space<hbm>>, %arg5: memref<3200xi32, #tpu.memory_space<vmem>>, %arg6: memref<5x128x128xf32, #tpu.memory_space<vmem>>, %arg7: memref<5x!tpu.dma_semaphore, #tpu.memory_space<semaphore_mem>>, %arg8: memref<5x!tpu.dma_semaphore, #tpu.memory_space<semaphore_mem>>) attributes {dimension_semantics = [#tpu.dimension_semantics<core_parallel>, #tpu.dimension_semantics<subcore_parallel>], iteration_bounds = array<i64: 2, 16>, scalar_prefetch = 0 : i64, scratch_operands = 4 : i64, tpu.core_type = #tpu.core_type<sc_vector_subcore>, window_params = [{transform_indices = #map}, {transform_indices = #map1}, {transform_indices = #map}]} {
    %mul3A = arith.constant 2 : i32
    %mul3A_0 = arith.muli %arg1, %mul3A : i32
    %add3A = arith.addi %mul3A_0, %arg0 : i32
    %mul3A_1 = arith.constant 3200 : i32
    %mul3A_2 = arith.muli %add3A, %mul3A_1 : i32
    "tpu.region"() ({
      %run_scoped3A = tpu.sem_alloc : memref<!tpu.dma_semaphore, #tpu.memory_space<semaphore_mem>>
      %dma_start3A_322 = tpu.memref_slice %arg3[%mul3A_2] : memref<102400xi32, #tpu.memory_space<hbm>> -> memref<3200xi32, #tpu.memory_space<hbm>>
      %dma_start3A_323 = tpu.memref_slice %arg3[%mul3A_2] : memref<102400xi32, #tpu.memory_space<hbm>> -> memref<3200xi32, #tpu.memory_space<hbm>>
      tpu.enqueue_dma source(%dma_start3A_323 : memref<3200xi32, #tpu.memory_space<hbm>>) target(%arg5 : memref<3200xi32, #tpu.memory_space<vmem>>) target_semaphore(%run_scoped3A : memref<!tpu.dma_semaphore, #tpu.memory_space<semaphore_mem>>)
      %dma_wait3A_324 = tpu.memref_slice %arg3[%mul3A_2] : memref<102400xi32, #tpu.memory_space<hbm>> -> memref<3200xi32, #tpu.memory_space<hbm>>
      %dma_wait3A_325 = tpu.memref_slice %arg3[%mul3A_2] : memref<102400xi32, #tpu.memory_space<hbm>> -> memref<3200xi32, #tpu.memory_space<hbm>>
      tpu.wait_dma2 semaphore(%run_scoped3A : memref<!tpu.dma_semaphore, #tpu.memory_space<semaphore_mem>>) src(%dma_wait3A_325 : memref<3200xi32, #tpu.memory_space<hbm>>) dst(%arg5 : memref<3200xi32, #tpu.memory_space<vmem>>)
      tpu.yield
    }) : () -> ()
    %scan3A = arith.constant 0 : i32
    %scan3A_3 = arith.constant 0 : i32
    %scan3A_4 = arith.constant 200 : i32
    %scan3A_5 = arith.addi %scan3A_3, %scan3A_4 : i32
    %scan3A_6 = arith.constant 1 : i32
    scf.for %scan3A_322 = %scan3A_3 to %scan3A_5 step %scan3A_6  : i32 {
      %mul3A_323 = arith.constant 16 : i32
      %mul3A_324 = arith.muli %scan3A_322, %mul3A_323 : i32
      %get3A = arith.index_cast %mul3A_324 : i32 to index
      %get3A_325 = tpu.vector_load %arg5[%get3A] {strides = array<i32>} : memref<3200xi32, #tpu.memory_space<vmem>>, vector<16xi32>,
      %get3A_326 = vector.shape_cast %get3A_325 : vector<16xi32> to vector<16xi32>
      %and3A = arith.constant 65535 : i32
      %and3A_327 = vector.broadcast %and3A : i32 to vector<16xi32>
      %and3A_328 = arith.andi %get3A_326, %and3A_327 : vector<16xi32>
      %mul3A_329 = arith.constant 64 : i32
      %mul3A_330 = vector.broadcast %mul3A_329 : i32 to vector<16xi32>
      %mul3A_331 = arith.muli %and3A_328, %mul3A_330 : vector<16xi32>
      %shift_right_arithmetic3A = arith.constant 16 : i32
      %shift_right_arithmetic3A_332 = vector.broadcast %shift_right_arithmetic3A : i32 to vector<16xi32>
      %shift_right_arithmetic3A_333 = arith.shrsi %get3A_326, %shift_right_arithmetic3A_332 : vector<16xi32>
      %add3A_334 = arith.addi %mul3A_331, %shift_right_arithmetic3A_333 : vector<16xi32>
      %swap3A = arith.index_cast %mul3A_324 : i32 to index
      %swap3A_335 = tpu.vector_load %arg5[%swap3A] {strides = array<i32>} : memref<3200xi32, #tpu.memory_space<vmem>>, vector<16xi32>,
      %swap3A_336 = vector.shape_cast %swap3A_335 : vector<16xi32> to vector<16xi32>
      %swap3A_337 = vector.shape_cast %add3A_334 : vector<16xi32> to vector<16xi32>
      tpu.vector_store %arg5[%swap3A], %swap3A_337 {strides = array<i32>} : memref<3200xi32, #tpu.memory_space<vmem>>, vector<16xi32>,
    }
    %scan3A_7 = arith.constant 200 : i32
    %dma_start3A = arith.constant 0 : i32
    %dma_start3A_8 = arith.constant 0 : i32
    %dma_start3A_9 = arith.constant 0 : i32
    %dma_start3A_10 = arith.constant 0 : i32
    %dma_start3A_11 = tpu.memref_slice %arg6[%dma_start3A, %dma_start3A_9, %dma_start3A_10] : memref<5x128x128xf32, #tpu.memory_space<vmem>> -> memref<1x128x128xf32, #tpu.memory_space<vmem>>
    %dma_start3A_12 = tpu.memref_squeeze %dma_start3A_11 : memref<1x128x128xf32, #tpu.memory_space<vmem>> -> memref<128x128xf32, #tpu.memory_space<vmem>>
    %dma_start3A_13 = arith.constant 0 : i32
    %dma_start3A_14 = tpu.memref_slice %arg5[%dma_start3A_13] : memref<3200xi32, #tpu.memory_space<vmem>> -> memref<128xi32, #tpu.memory_space<vmem>>
    %dma_start3A_15 = arith.constant 0 : i32
    %dma_start3A_16 = arith.constant 0 : i32
    %dma_start3A_17 = tpu.memref_slice %arg2[%dma_start3A_15, %dma_start3A_16] : memref<4096x128xf32, #tpu.memory_space<hbm>> -> memref<4096x128xf32, #tpu.memory_space<hbm>>
    %dma_start3A_18 = tpu.memref_slice %arg7[%dma_start3A_8] : memref<5x!tpu.dma_semaphore, #tpu.memory_space<semaphore_mem>> -> memref<1x!tpu.dma_semaphore, #tpu.memory_space<semaphore_mem>>
    %dma_start3A_19 = tpu.memref_squeeze %dma_start3A_18 : memref<1x!tpu.dma_semaphore, #tpu.memory_space<semaphore_mem>> -> memref<!tpu.dma_semaphore, #tpu.memory_space<semaphore_mem>>
    tpu.enqueue_indirect_dma source(%dma_start3A_17 : memref<4096x128xf32, #tpu.memory_space<hbm>>) target(%dma_start3A_12 : memref<128x128xf32, #tpu.memory_space<vmem>>) offsets(%dma_start3A_14 : memref<128xi32, #tpu.memory_space<vmem>>) semaphore(%dma_start3A_19 : memref<!tpu.dma_semaphore, #tpu.memory_space<semaphore_mem>>)
    %dma_start3A_20 = arith.constant 1 : i32
    %dma_start3A_21 = arith.constant 1 : i32
    %dma_start3A_22 = arith.constant 0 : i32
    %dma_start3A_23 = arith.constant 0 : i32
    %dma_start3A_24 = tpu.memref_slice %arg6[%dma_start3A_20, %dma_start3A_22, %dma_start3A_23] : memref<5x128x128xf32, #tpu.memory_space<vmem>> -> memref<1x128x128xf32, #tpu.memory_space<vmem>>
    %dma_start3A_25 = tpu.memref_squeeze %dma_start3A_24 : memref<1x128x128xf32, #tpu.memory_space<vmem>> -> memref<128x128xf32, #tpu.memory_space<vmem>>
    %dma_start3A_26 = arith.constant 128 : i32
    %dma_start3A_27 = tpu.memref_slice %arg5[%dma_start3A_26] : memref<3200xi32, #tpu.memory_space<vmem>> -> memref<128xi32, #tpu.memory_space<vmem>>
    %dma_start3A_28 = arith.constant 0 : i32
    %dma_start3A_29 = arith.constant 0 : i32
    %dma_start3A_30 = tpu.memref_slice %arg2[%dma_start3A_28, %dma_start3A_29] : memref<4096x128xf32, #tpu.memory_space<hbm>> -> memref<4096x128xf32, #tpu.memory_space<hbm>>
    %dma_start3A_31 = tpu.memref_slice %arg7[%dma_start3A_21] : memref<5x!tpu.dma_semaphore, #tpu.memory_space<semaphore_mem>> -> memref<1x!tpu.dma_semaphore, #tpu.memory_space<semaphore_mem>>
    %dma_start3A_32 = tpu.memref_squeeze %dma_start3A_31 : memref<1x!tpu.dma_semaphore, #tpu.memory_space<semaphore_mem>> -> memref<!tpu.dma_semaphore, #tpu.memory_space<semaphore_mem>>
    tpu.enqueue_indirect_dma source(%dma_start3A_30 : memref<4096x128xf32, #tpu.memory_space<hbm>>) target(%dma_start3A_25 : memref<128x128xf32, #tpu.memory_space<vmem>>) offsets(%dma_start3A_27 : memref<128xi32, #tpu.memory_space<vmem>>) semaphore(%dma_start3A_32 : memref<!tpu.dma_semaphore, #tpu.memory_space<semaphore_mem>>)
    %dma_start3A_33 = arith.constant 2 : i32
    %dma_start3A_34 = arith.constant 2 : i32
    %dma_start3A_35 = arith.constant 0 : i32
    %dma_start3A_36 = arith.constant 0 : i32
    %dma_start3A_37 = tpu.memref_slice %arg6[%dma_start3A_33, %dma_start3A_35, %dma_start3A_36] : memref<5x128x128xf32, #tpu.memory_space<vmem>> -> memref<1x128x128xf32, #tpu.memory_space<vmem>>
    %dma_start3A_38 = tpu.memref_squeeze %dma_start3A_37 : memref<1x128x128xf32, #tpu.memory_space<vmem>> -> memref<128x128xf32, #tpu.memory_space<vmem>>
    %dma_start3A_39 = arith.constant 256 : i32
    %dma_start3A_40 = tpu.memref_slice %arg5[%dma_start3A_39] : memref<3200xi32, #tpu.memory_space<vmem>> -> memref<128xi32, #tpu.memory_space<vmem>>
    %dma_start3A_41 = arith.constant 0 : i32
    %dma_start3A_42 = arith.constant 0 : i32
    %dma_start3A_43 = tpu.memref_slice %arg2[%dma_start3A_41, %dma_start3A_42] : memref<4096x128xf32, #tpu.memory_space<hbm>> -> memref<4096x128xf32, #tpu.memory_space<hbm>>
    %dma_start3A_44 = tpu.memref_slice %arg7[%dma_start3A_34] : memref<5x!tpu.dma_semaphore, #tpu.memory_space<semaphore_mem>> -> memref<1x!tpu.dma_semaphore, #tpu.memory_space<semaphore_mem>>
    %dma_start3A_45 = tpu.memref_squeeze %dma_start3A_44 : memref<1x!tpu.dma_semaphore, #tpu.memory_space<semaphore_mem>> -> memref<!tpu.dma_semaphore, #tpu.memory_space<semaphore_mem>>
    tpu.enqueue_indirect_dma source(%dma_start3A_43 : memref<4096x128xf32, #tpu.memory_space<hbm>>) target(%dma_start3A_38 : memref<128x128xf32, #tpu.memory_space<vmem>>) offsets(%dma_start3A_40 : memref<128xi32, #tpu.memory_space<vmem>>) semaphore(%dma_start3A_45 : memref<!tpu.dma_semaphore, #tpu.memory_space<semaphore_mem>>)
    %dma_start3A_46 = arith.constant 3 : i32
    %dma_start3A_47 = arith.constant 3 : i32
    %dma_start3A_48 = arith.constant 0 : i32
    %dma_start3A_49 = arith.constant 0 : i32
    %dma_start3A_50 = tpu.memref_slice %arg6[%dma_start3A_46, %dma_start3A_48, %dma_start3A_49] : memref<5x128x128xf32, #tpu.memory_space<vmem>> -> memref<1x128x128xf32, #tpu.memory_space<vmem>>
    %dma_start3A_51 = tpu.memref_squeeze %dma_start3A_50 : memref<1x128x128xf32, #tpu.memory_space<vmem>> -> memref<128x128xf32, #tpu.memory_space<vmem>>
    %dma_start3A_52 = arith.constant 384 : i32
    %dma_start3A_53 = tpu.memref_slice %arg5[%dma_start3A_52] : memref<3200xi32, #tpu.memory_space<vmem>> -> memref<128xi32, #tpu.memory_space<vmem>>
    %dma_start3A_54 = arith.constant 0 : i32
    %dma_start3A_55 = arith.constant 0 : i32
    %dma_start3A_56 = tpu.memref_slice %arg2[%dma_start3A_54, %dma_start3A_55] : memref<4096x128xf32, #tpu.memory_space<hbm>> -> memref<4096x128xf32, #tpu.memory_space<hbm>>
    %dma_start3A_57 = tpu.memref_slice %arg7[%dma_start3A_47] : memref<5x!tpu.dma_semaphore, #tpu.memory_space<semaphore_mem>> -> memref<1x!tpu.dma_semaphore, #tpu.memory_space<semaphore_mem>>
    %dma_start3A_58 = tpu.memref_squeeze %dma_start3A_57 : memref<1x!tpu.dma_semaphore, #tpu.memory_space<semaphore_mem>> -> memref<!tpu.dma_semaphore, #tpu.memory_space<semaphore_mem>>
    tpu.enqueue_indirect_dma source(%dma_start3A_56 : memref<4096x128xf32, #tpu.memory_space<hbm>>) target(%dma_start3A_51 : memref<128x128xf32, #tpu.memory_space<vmem>>) offsets(%dma_start3A_53 : memref<128xi32, #tpu.memory_space<vmem>>) semaphore(%dma_start3A_58 : memref<!tpu.dma_semaphore, #tpu.memory_space<semaphore_mem>>)
    %dma_start3A_59 = arith.constant 4 : i32
    %dma_start3A_60 = arith.constant 4 : i32
    %dma_start3A_61 = arith.constant 0 : i32
    %dma_start3A_62 = arith.constant 0 : i32
    %dma_start3A_63 = tpu.memref_slice %arg6[%dma_start3A_59, %dma_start3A_61, %dma_start3A_62] : memref<5x128x128xf32, #tpu.memory_space<vmem>> -> memref<1x128x128xf32, #tpu.memory_space<vmem>>
    %dma_start3A_64 = tpu.memref_squeeze %dma_start3A_63 : memref<1x128x128xf32, #tpu.memory_space<vmem>> -> memref<128x128xf32, #tpu.memory_space<vmem>>
    %dma_start3A_65 = arith.constant 512 : i32
    %dma_start3A_66 = tpu.memref_slice %arg5[%dma_start3A_65] : memref<3200xi32, #tpu.memory_space<vmem>> -> memref<128xi32, #tpu.memory_space<vmem>>
    %dma_start3A_67 = arith.constant 0 : i32
    %dma_start3A_68 = arith.constant 0 : i32
    %dma_start3A_69 = tpu.memref_slice %arg2[%dma_start3A_67, %dma_start3A_68] : memref<4096x128xf32, #tpu.memory_space<hbm>> -> memref<4096x128xf32, #tpu.memory_space<hbm>>
    %dma_start3A_70 = tpu.memref_slice %arg7[%dma_start3A_60] : memref<5x!tpu.dma_semaphore, #tpu.memory_space<semaphore_mem>> -> memref<1x!tpu.dma_semaphore, #tpu.memory_space<semaphore_mem>>
    %dma_start3A_71 = tpu.memref_squeeze %dma_start3A_70 : memref<1x!tpu.dma_semaphore, #tpu.memory_space<semaphore_mem>> -> memref<!tpu.dma_semaphore, #tpu.memory_space<semaphore_mem>>
    tpu.enqueue_indirect_dma source(%dma_start3A_69 : memref<4096x128xf32, #tpu.memory_space<hbm>>) target(%dma_start3A_64 : memref<128x128xf32, #tpu.memory_space<vmem>>) offsets(%dma_start3A_66 : memref<128xi32, #tpu.memory_space<vmem>>) semaphore(%dma_start3A_71 : memref<!tpu.dma_semaphore, #tpu.memory_space<semaphore_mem>>)
    %scan3A_72 = arith.constant 0 : i32
    %scan3A_73 = arith.constant 0 : i32
    %scan3A_74 = arith.constant 4 : i32
    %scan3A_75 = arith.addi %scan3A_73, %scan3A_74 : i32
    %scan3A_76 = arith.constant 1 : i32
    scf.for %scan3A_322 = %scan3A_73 to %scan3A_75 step %scan3A_76  : i32 {
      %mul3A_323 = arith.constant 5 : i32
      %mul3A_324 = arith.muli %scan3A_322, %mul3A_323 : i32
      %add3A_325 = arith.constant 0 : i32
      %add3A_326 = arith.addi %mul3A_324, %add3A_325 : i32
      %mul3A_327 = arith.constant 128 : i32
      %mul3A_328 = arith.muli %add3A_326, %mul3A_327 : i32
      %dma_wait3A_329 = arith.constant 0 : i32
      %dma_wait3A_330 = arith.constant 0 : i32
      %dma_wait3A_331 = arith.constant 0 : i32
      %dma_wait3A_332 = arith.constant 0 : i32
      %dma_wait3A_333 = tpu.memref_slice %arg6[%dma_wait3A_329, %dma_wait3A_331, %dma_wait3A_332] : memref<5x128x128xf32, #tpu.memory_space<vmem>> -> memref<1x128x128xf32, #tpu.memory_space<vmem>>
      %dma_wait3A_334 = tpu.memref_squeeze %dma_wait3A_333 : memref<1x128x128xf32, #tpu.memory_space<vmem>> -> memref<128x128xf32, #tpu.memory_space<vmem>>
      %dma_wait3A_335 = tpu.memref_slice %arg5[%mul3A_328] : memref<3200xi32, #tpu.memory_space<vmem>> -> memref<128xi32, #tpu.memory_space<vmem>>
      %dma_wait3A_336 = arith.constant 0 : i32
      %dma_wait3A_337 = arith.constant 0 : i32
      %dma_wait3A_338 = tpu.memref_slice %arg2[%dma_wait3A_336, %dma_wait3A_337] : memref<4096x128xf32, #tpu.memory_space<hbm>> -> memref<4096x128xf32, #tpu.memory_space<hbm>>
      %dma_wait3A_339 = tpu.memref_slice %arg7[%dma_wait3A_330] : memref<5x!tpu.dma_semaphore, #tpu.memory_space<semaphore_mem>> -> memref<1x!tpu.dma_semaphore, #tpu.memory_space<semaphore_mem>>
      %dma_wait3A_340 = tpu.memref_squeeze %dma_wait3A_339 : memref<1x!tpu.dma_semaphore, #tpu.memory_space<semaphore_mem>> -> memref<!tpu.dma_semaphore, #tpu.memory_space<semaphore_mem>>
      tpu.wait_indirect_dma semaphore(%dma_wait3A_340 : memref<!tpu.dma_semaphore, #tpu.memory_space<semaphore_mem>>) src(%dma_wait3A_338 : memref<4096x128xf32, #tpu.memory_space<hbm>>) dst(%dma_wait3A_334 : memref<128x128xf32, #tpu.memory_space<vmem>>)
      %mul3A_341 = arith.constant 128 : i32
      %mul3A_342 = arith.muli %add3A_326, %mul3A_341 : i32
      %add3A_343 = arith.addi %mul3A_2, %mul3A_342 : i32
      %dma_start3A_344 = arith.constant 0 : i32
      %dma_start3A_345 = arith.constant 0 : i32
      %dma_start3A_346 = arith.constant 0 : i32
      %dma_start3A_347 = arith.constant 0 : i32
      %dma_start3A_348 = tpu.memref_slice %arg6[%dma_start3A_344, %dma_start3A_346, %dma_start3A_347] : memref<5x128x128xf32, #tpu.memory_space<vmem>> -> memref<1x128x128xf32, #tpu.memory_space<vmem>>
      %dma_start3A_349 = tpu.memref_squeeze %dma_start3A_348 : memref<1x128x128xf32, #tpu.memory_space<vmem>> -> memref<128x128xf32, #tpu.memory_space<vmem>>
      %dma_start3A_350 = arith.constant 0 : i32
      %dma_start3A_351 = tpu.memref_slice %arg4[%add3A_343, %dma_start3A_350] : memref<102400x128xf32, #tpu.memory_space<hbm>> -> memref<128x128xf32, #tpu.memory_space<hbm>>
      %dma_start3A_352 = tpu.memref_slice %arg8[%dma_start3A_345] : memref<5x!tpu.dma_semaphore, #tpu.memory_space<semaphore_mem>> -> memref<1x!tpu.dma_semaphore, #tpu.memory_space<semaphore_mem>>
      %dma_start3A_353 = tpu.memref_squeeze %dma_start3A_352 : memref<1x!tpu.dma_semaphore, #tpu.memory_space<semaphore_mem>> -> memref<!tpu.dma_semaphore, #tpu.memory_space<semaphore_mem>>
      %dma_start3A_354 = arith.constant 0 : i32
      %dma_start3A_355 = tpu.memref_slice %arg4[%add3A_343, %dma_start3A_354] : memref<102400x128xf32, #tpu.memory_space<hbm>> -> memref<128x128xf32, #tpu.memory_space<hbm>>
      %dma_start3A_356 = arith.constant 0 : i32
      %dma_start3A_357 = arith.constant 0 : i32
      %dma_start3A_358 = tpu.memref_slice %arg6[%dma_start3A_344, %dma_start3A_356, %dma_start3A_357] : memref<5x128x128xf32, #tpu.memory_space<vmem>> -> memref<1x128x128xf32, #tpu.memory_space<vmem>>
      %dma_start3A_359 = tpu.memref_squeeze %dma_start3A_358 : memref<1x128x128xf32, #tpu.memory_space<vmem>> -> memref<128x128xf32, #tpu.memory_space<vmem>>
      tpu.enqueue_dma source(%dma_start3A_359 : memref<128x128xf32, #tpu.memory_space<vmem>>) target(%dma_start3A_355 : memref<128x128xf32, #tpu.memory_space<hbm>>) target_semaphore(%dma_start3A_353 : memref<!tpu.dma_semaphore, #tpu.memory_space<semaphore_mem>>)
      %mul3A_360 = arith.constant 5 : i32
      %mul3A_361 = arith.muli %scan3A_322, %mul3A_360 : i32
      %add3A_362 = arith.constant 1 : i32
      %add3A_363 = arith.addi %mul3A_361, %add3A_362 : i32
      %mul3A_364 = arith.constant 128 : i32
      %mul3A_365 = arith.muli %add3A_363, %mul3A_364 : i32
      %dma_wait3A_366 = arith.constant 1 : i32
      %dma_wait3A_367 = arith.constant 1 : i32
      %dma_wait3A_368 = arith.constant 0 : i32
      %dma_wait3A_369 = arith.constant 0 : i32
      %dma_wait3A_370 = tpu.memref_slice %arg6[%dma_wait3A_366, %dma_wait3A_368, %dma_wait3A_369] : memref<5x128x128xf32, #tpu.memory_space<vmem>> -> memref<1x128x128xf32, #tpu.memory_space<vmem>>
      %dma_wait3A_371 = tpu.memref_squeeze %dma_wait3A_370 : memref<1x128x128xf32, #tpu.memory_space<vmem>> -> memref<128x128xf32, #tpu.memory_space<vmem>>
      %dma_wait3A_372 = tpu.memref_slice %arg5[%mul3A_365] : memref<3200xi32, #tpu.memory_space<vmem>> -> memref<128xi32, #tpu.memory_space<vmem>>
      %dma_wait3A_373 = arith.constant 0 : i32
      %dma_wait3A_374 = arith.constant 0 : i32
      %dma_wait3A_375 = tpu.memref_slice %arg2[%dma_wait3A_373, %dma_wait3A_374] : memref<4096x128xf32, #tpu.memory_space<hbm>> -> memref<4096x128xf32, #tpu.memory_space<hbm>>
      %dma_wait3A_376 = tpu.memref_slice %arg7[%dma_wait3A_367] : memref<5x!tpu.dma_semaphore, #tpu.memory_space<semaphore_mem>> -> memref<1x!tpu.dma_semaphore, #tpu.memory_space<semaphore_mem>>
      %dma_wait3A_377 = tpu.memref_squeeze %dma_wait3A_376 : memref<1x!tpu.dma_semaphore, #tpu.memory_space<semaphore_mem>> -> memref<!tpu.dma_semaphore, #tpu.memory_space<semaphore_mem>>
      tpu.wait_indirect_dma semaphore(%dma_wait3A_377 : memref<!tpu.dma_semaphore, #tpu.memory_space<semaphore_mem>>) src(%dma_wait3A_375 : memref<4096x128xf32, #tpu.memory_space<hbm>>) dst(%dma_wait3A_371 : memref<128x128xf32, #tpu.memory_space<vmem>>)
      %mul3A_378 = arith.constant 128 : i32
      %mul3A_379 = arith.muli %add3A_363, %mul3A_378 : i32
      %add3A_380 = arith.addi %mul3A_2, %mul3A_379 : i32
      %dma_start3A_381 = arith.constant 1 : i32
      %dma_start3A_382 = arith.constant 1 : i32
      %dma_start3A_383 = arith.constant 0 : i32
      %dma_start3A_384 = arith.constant 0 : i32
      %dma_start3A_385 = tpu.memref_slice %arg6[%dma_start3A_381, %dma_start3A_383, %dma_start3A_384] : memref<5x128x128xf32, #tpu.memory_space<vmem>> -> memref<1x128x128xf32, #tpu.memory_space<vmem>>
      %dma_start3A_386 = tpu.memref_squeeze %dma_start3A_385 : memref<1x128x128xf32, #tpu.memory_space<vmem>> -> memref<128x128xf32, #tpu.memory_space<vmem>>
      %dma_start3A_387 = arith.constant 0 : i32
      %dma_start3A_388 = tpu.memref_slice %arg4[%add3A_380, %dma_start3A_387] : memref<102400x128xf32, #tpu.memory_space<hbm>> -> memref<128x128xf32, #tpu.memory_space<hbm>>
      %dma_start3A_389 = tpu.memref_slice %arg8[%dma_start3A_382] : memref<5x!tpu.dma_semaphore, #tpu.memory_space<semaphore_mem>> -> memref<1x!tpu.dma_semaphore, #tpu.memory_space<semaphore_mem>>
      %dma_start3A_390 = tpu.memref_squeeze %dma_start3A_389 : memref<1x!tpu.dma_semaphore, #tpu.memory_space<semaphore_mem>> -> memref<!tpu.dma_semaphore, #tpu.memory_space<semaphore_mem>>
      %dma_start3A_391 = arith.constant 0 : i32
      %dma_start3A_392 = tpu.memref_slice %arg4[%add3A_380, %dma_start3A_391] : memref<102400x128xf32, #tpu.memory_space<hbm>> -> memref<128x128xf32, #tpu.memory_space<hbm>>
      %dma_start3A_393 = arith.constant 0 : i32
      %dma_start3A_394 = arith.constant 0 : i32
      %dma_start3A_395 = tpu.memref_slice %arg6[%dma_start3A_381, %dma_start3A_393, %dma_start3A_394] : memref<5x128x128xf32, #tpu.memory_space<vmem>> -> memref<1x128x128xf32, #tpu.memory_space<vmem>>
      %dma_start3A_396 = tpu.memref_squeeze %dma_start3A_395 : memref<1x128x128xf32, #tpu.memory_space<vmem>> -> memref<128x128xf32, #tpu.memory_space<vmem>>
      tpu.enqueue_dma source(%dma_start3A_396 : memref<128x128xf32, #tpu.memory_space<vmem>>) target(%dma_start3A_392 : memref<128x128xf32, #tpu.memory_space<hbm>>) target_semaphore(%dma_start3A_390 : memref<!tpu.dma_semaphore, #tpu.memory_space<semaphore_mem>>)
      %mul3A_397 = arith.constant 5 : i32
      %mul3A_398 = arith.muli %scan3A_322, %mul3A_397 : i32
      %add3A_399 = arith.constant 2 : i32
      %add3A_400 = arith.addi %mul3A_398, %add3A_399 : i32
      %mul3A_401 = arith.constant 128 : i32
      %mul3A_402 = arith.muli %add3A_400, %mul3A_401 : i32
      %dma_wait3A_403 = arith.constant 2 : i32
      %dma_wait3A_404 = arith.constant 2 : i32
      %dma_wait3A_405 = arith.constant 0 : i32
      %dma_wait3A_406 = arith.constant 0 : i32
      %dma_wait3A_407 = tpu.memref_slice %arg6[%dma_wait3A_403, %dma_wait3A_405, %dma_wait3A_406] : memref<5x128x128xf32, #tpu.memory_space<vmem>> -> memref<1x128x128xf32, #tpu.memory_space<vmem>>
      %dma_wait3A_408 = tpu.memref_squeeze %dma_wait3A_407 : memref<1x128x128xf32, #tpu.memory_space<vmem>> -> memref<128x128xf32, #tpu.memory_space<vmem>>
      %dma_wait3A_409 = tpu.memref_slice %arg5[%mul3A_402] : memref<3200xi32, #tpu.memory_space<vmem>> -> memref<128xi32, #tpu.memory_space<vmem>>
      %dma_wait3A_410 = arith.constant 0 : i32
      %dma_wait3A_411 = arith.constant 0 : i32
      %dma_wait3A_412 = tpu.memref_slice %arg2[%dma_wait3A_410, %dma_wait3A_411] : memref<4096x128xf32, #tpu.memory_space<hbm>> -> memref<4096x128xf32, #tpu.memory_space<hbm>>
      %dma_wait3A_413 = tpu.memref_slice %arg7[%dma_wait3A_404] : memref<5x!tpu.dma_semaphore, #tpu.memory_space<semaphore_mem>> -> memref<1x!tpu.dma_semaphore, #tpu.memory_space<semaphore_mem>>
      %dma_wait3A_414 = tpu.memref_squeeze %dma_wait3A_413 : memref<1x!tpu.dma_semaphore, #tpu.memory_space<semaphore_mem>> -> memref<!tpu.dma_semaphore, #tpu.memory_space<semaphore_mem>>
      tpu.wait_indirect_dma semaphore(%dma_wait3A_414 : memref<!tpu.dma_semaphore, #tpu.memory_space<semaphore_mem>>) src(%dma_wait3A_412 : memref<4096x128xf32, #tpu.memory_space<hbm>>) dst(%dma_wait3A_408 : memref<128x128xf32, #tpu.memory_space<vmem>>)
      %mul3A_415 = arith.constant 128 : i32
      %mul3A_416 = arith.muli %add3A_400, %mul3A_415 : i32
      %add3A_417 = arith.addi %mul3A_2, %mul3A_416 : i32
      %dma_start3A_418 = arith.constant 2 : i32
      %dma_start3A_419 = arith.constant 2 : i32
      %dma_start3A_420 = arith.constant 0 : i32
      %dma_start3A_421 = arith.constant 0 : i32
      %dma_start3A_422 = tpu.memref_slice %arg6[%dma_start3A_418, %dma_start3A_420, %dma_start3A_421] : memref<5x128x128xf32, #tpu.memory_space<vmem>> -> memref<1x128x128xf32, #tpu.memory_space<vmem>>
      %dma_start3A_423 = tpu.memref_squeeze %dma_start3A_422 : memref<1x128x128xf32, #tpu.memory_space<vmem>> -> memref<128x128xf32, #tpu.memory_space<vmem>>
      %dma_start3A_424 = arith.constant 0 : i32
      %dma_start3A_425 = tpu.memref_slice %arg4[%add3A_417, %dma_start3A_424] : memref<102400x128xf32, #tpu.memory_space<hbm>> -> memref<128x128xf32, #tpu.memory_space<hbm>>
      %dma_start3A_426 = tpu.memref_slice %arg8[%dma_start3A_419] : memref<5x!tpu.dma_semaphore, #tpu.memory_space<semaphore_mem>> -> memref<1x!tpu.dma_semaphore, #tpu.memory_space<semaphore_mem>>
      %dma_start3A_427 = tpu.memref_squeeze %dma_start3A_426 : memref<1x!tpu.dma_semaphore, #tpu.memory_space<semaphore_mem>> -> memref<!tpu.dma_semaphore, #tpu.memory_space<semaphore_mem>>
      %dma_start3A_428 = arith.constant 0 : i32
      %dma_start3A_429 = tpu.memref_slice %arg4[%add3A_417, %dma_start3A_428] : memref<102400x128xf32, #tpu.memory_space<hbm>> -> memref<128x128xf32, #tpu.memory_space<hbm>>
      %dma_start3A_430 = arith.constant 0 : i32
      %dma_start3A_431 = arith.constant 0 : i32
      %dma_start3A_432 = tpu.memref_slice %arg6[%dma_start3A_418, %dma_start3A_430, %dma_start3A_431] : memref<5x128x128xf32, #tpu.memory_space<vmem>> -> memref<1x128x128xf32, #tpu.memory_space<vmem>>
      %dma_start3A_433 = tpu.memref_squeeze %dma_start3A_432 : memref<1x128x128xf32, #tpu.memory_space<vmem>> -> memref<128x128xf32, #tpu.memory_space<vmem>>
      tpu.enqueue_dma source(%dma_start3A_433 : memref<128x128xf32, #tpu.memory_space<vmem>>) target(%dma_start3A_429 : memref<128x128xf32, #tpu.memory_space<hbm>>) target_semaphore(%dma_start3A_427 : memref<!tpu.dma_semaphore, #tpu.memory_space<semaphore_mem>>)
      %mul3A_434 = arith.constant 5 : i32
      %mul3A_435 = arith.muli %scan3A_322, %mul3A_434 : i32
      %add3A_436 = arith.constant 3 : i32
      %add3A_437 = arith.addi %mul3A_435, %add3A_436 : i32
      %mul3A_438 = arith.constant 128 : i32
      %mul3A_439 = arith.muli %add3A_437, %mul3A_438 : i32
      %dma_wait3A_440 = arith.constant 3 : i32
      %dma_wait3A_441 = arith.constant 3 : i32
      %dma_wait3A_442 = arith.constant 0 : i32
      %dma_wait3A_443 = arith.constant 0 : i32
      %dma_wait3A_444 = tpu.memref_slice %arg6[%dma_wait3A_440, %dma_wait3A_442, %dma_wait3A_443] : memref<5x128x128xf32, #tpu.memory_space<vmem>> -> memref<1x128x128xf32, #tpu.memory_space<vmem>>
      %dma_wait3A_445 = tpu.memref_squeeze %dma_wait3A_444 : memref<1x128x128xf32, #tpu.memory_space<vmem>> -> memref<128x128xf32, #tpu.memory_space<vmem>>
      %dma_wait3A_446 = tpu.memref_slice %arg5[%mul3A_439] : memref<3200xi32, #tpu.memory_space<vmem>> -> memref<128xi32, #tpu.memory_space<vmem>>
      %dma_wait3A_447 = arith.constant 0 : i32
      %dma_wait3A_448 = arith.constant 0 : i32
      %dma_wait3A_449 = tpu.memref_slice %arg2[%dma_wait3A_447, %dma_wait3A_448] : memref<4096x128xf32, #tpu.memory_space<hbm>> -> memref<4096x128xf32, #tpu.memory_space<hbm>>
      %dma_wait3A_450 = tpu.memref_slice %arg7[%dma_wait3A_441] : memref<5x!tpu.dma_semaphore, #tpu.memory_space<semaphore_mem>> -> memref<1x!tpu.dma_semaphore, #tpu.memory_space<semaphore_mem>>
      %dma_wait3A_451 = tpu.memref_squeeze %dma_wait3A_450 : memref<1x!tpu.dma_semaphore, #tpu.memory_space<semaphore_mem>> -> memref<!tpu.dma_semaphore, #tpu.memory_space<semaphore_mem>>
      tpu.wait_indirect_dma semaphore(%dma_wait3A_451 : memref<!tpu.dma_semaphore, #tpu.memory_space<semaphore_mem>>) src(%dma_wait3A_449 : memref<4096x128xf32, #tpu.memory_space<hbm>>) dst(%dma_wait3A_445 : memref<128x128xf32, #tpu.memory_space<vmem>>)
      %mul3A_452 = arith.constant 128 : i32
      %mul3A_453 = arith.muli %add3A_437, %mul3A_452 : i32
      %add3A_454 = arith.addi %mul3A_2, %mul3A_453 : i32
      %dma_start3A_455 = arith.constant 3 : i32
      %dma_start3A_456 = arith.constant 3 : i32
      %dma_start3A_457 = arith.constant 0 : i32
      %dma_start3A_458 = arith.constant 0 : i32
      %dma_start3A_459 = tpu.memref_slice %arg6[%dma_start3A_455, %dma_start3A_457, %dma_start3A_458] : memref<5x128x128xf32, #tpu.memory_space<vmem>> -> memref<1x128x128xf32, #tpu.memory_space<vmem>>
      %dma_start3A_460 = tpu.memref_squeeze %dma_start3A_459 : memref<1x128x128xf32, #tpu.memory_space<vmem>> -> memref<128x128xf32, #tpu.memory_space<vmem>>
      %dma_start3A_461 = arith.constant 0 : i32
      %dma_start3A_462 = tpu.memref_slice %arg4[%add3A_454, %dma_start3A_461] : memref<102400x128xf32, #tpu.memory_space<hbm>> -> memref<128x128xf32, #tpu.memory_space<hbm>>
      %dma_start3A_463 = tpu.memref_slice %arg8[%dma_start3A_456] : memref<5x!tpu.dma_semaphore, #tpu.memory_space<semaphore_mem>> -> memref<1x!tpu.dma_semaphore, #tpu.memory_space<semaphore_mem>>
      %dma_start3A_464 = tpu.memref_squeeze %dma_start3A_463 : memref<1x!tpu.dma_semaphore, #tpu.memory_space<semaphore_mem>> -> memref<!tpu.dma_semaphore, #tpu.memory_space<semaphore_mem>>
      %dma_start3A_465 = arith.constant 0 : i32
      %dma_start3A_466 = tpu.memref_slice %arg4[%add3A_454, %dma_start3A_465] : memref<102400x128xf32, #tpu.memory_space<hbm>> -> memref<128x128xf32, #tpu.memory_space<hbm>>
      %dma_start3A_467 = arith.constant 0 : i32
      %dma_start3A_468 = arith.constant 0 : i32
      %dma_start3A_469 = tpu.memref_slice %arg6[%dma_start3A_455, %dma_start3A_467, %dma_start3A_468] : memref<5x128x128xf32, #tpu.memory_space<vmem>> -> memref<1x128x128xf32, #tpu.memory_space<vmem>>
      %dma_start3A_470 = tpu.memref_squeeze %dma_start3A_469 : memref<1x128x128xf32, #tpu.memory_space<vmem>> -> memref<128x128xf32, #tpu.memory_space<vmem>>
      tpu.enqueue_dma source(%dma_start3A_470 : memref<128x128xf32, #tpu.memory_space<vmem>>) target(%dma_start3A_466 : memref<128x128xf32, #tpu.memory_space<hbm>>) target_semaphore(%dma_start3A_464 : memref<!tpu.dma_semaphore, #tpu.memory_space<semaphore_mem>>)
      %mul3A_471 = arith.constant 5 : i32
      %mul3A_472 = arith.muli %scan3A_322, %mul3A_471 : i32
      %add3A_473 = arith.constant 4 : i32
      %add3A_474 = arith.addi %mul3A_472, %add3A_473 : i32
      %mul3A_475 = arith.constant 128 : i32
      %mul3A_476 = arith.muli %add3A_474, %mul3A_475 : i32
      %dma_wait3A_477 = arith.constant 4 : i32
      %dma_wait3A_478 = arith.constant 4 : i32
      %dma_wait3A_479 = arith.constant 0 : i32
      %dma_wait3A_480 = arith.constant 0 : i32
      %dma_wait3A_481 = tpu.memref_slice %arg6[%dma_wait3A_477, %dma_wait3A_479, %dma_wait3A_480] : memref<5x128x128xf32, #tpu.memory_space<vmem>> -> memref<1x128x128xf32, #tpu.memory_space<vmem>>
      %dma_wait3A_482 = tpu.memref_squeeze %dma_wait3A_481 : memref<1x128x128xf32, #tpu.memory_space<vmem>> -> memref<128x128xf32, #tpu.memory_space<vmem>>
      %dma_wait3A_483 = tpu.memref_slice %arg5[%mul3A_476] : memref<3200xi32, #tpu.memory_space<vmem>> -> memref<128xi32, #tpu.memory_space<vmem>>
      %dma_wait3A_484 = arith.constant 0 : i32
      %dma_wait3A_485 = arith.constant 0 : i32
      %dma_wait3A_486 = tpu.memref_slice %arg2[%dma_wait3A_484, %dma_wait3A_485] : memref<4096x128xf32, #tpu.memory_space<hbm>> -> memref<4096x128xf32, #tpu.memory_space<hbm>>
      %dma_wait3A_487 = tpu.memref_slice %arg7[%dma_wait3A_478] : memref<5x!tpu.dma_semaphore, #tpu.memory_space<semaphore_mem>> -> memref<1x!tpu.dma_semaphore, #tpu.memory_space<semaphore_mem>>
      %dma_wait3A_488 = tpu.memref_squeeze %dma_wait3A_487 : memref<1x!tpu.dma_semaphore, #tpu.memory_space<semaphore_mem>> -> memref<!tpu.dma_semaphore, #tpu.memory_space<semaphore_mem>>
      tpu.wait_indirect_dma semaphore(%dma_wait3A_488 : memref<!tpu.dma_semaphore, #tpu.memory_space<semaphore_mem>>) src(%dma_wait3A_486 : memref<4096x128xf32, #tpu.memory_space<hbm>>) dst(%dma_wait3A_482 : memref<128x128xf32, #tpu.memory_space<vmem>>)
      %mul3A_489 = arith.constant 128 : i32
      %mul3A_490 = arith.muli %add3A_474, %mul3A_489 : i32
      %add3A_491 = arith.addi %mul3A_2, %mul3A_490 : i32
      %dma_start3A_492 = arith.constant 4 : i32
      %dma_start3A_493 = arith.constant 4 : i32
      %dma_start3A_494 = arith.constant 0 : i32
      %dma_start3A_495 = arith.constant 0 : i32
      %dma_start3A_496 = tpu.memref_slice %arg6[%dma_start3A_492, %dma_start3A_494, %dma_start3A_495] : memref<5x128x128xf32, #tpu.memory_space<vmem>> -> memref<1x128x128xf32, #tpu.memory_space<vmem>>
      %dma_start3A_497 = tpu.memref_squeeze %dma_start3A_496 : memref<1x128x128xf32, #tpu.memory_space<vmem>> -> memref<128x128xf32, #tpu.memory_space<vmem>>
      %dma_start3A_498 = arith.constant 0 : i32
      %dma_start3A_499 = tpu.memref_slice %arg4[%add3A_491, %dma_start3A_498] : memref<102400x128xf32, #tpu.memory_space<hbm>> -> memref<128x128xf32, #tpu.memory_space<hbm>>
      %dma_start3A_500 = tpu.memref_slice %arg8[%dma_start3A_493] : memref<5x!tpu.dma_semaphore, #tpu.memory_space<semaphore_mem>> -> memref<1x!tpu.dma_semaphore, #tpu.memory_space<semaphore_mem>>
      %dma_start3A_501 = tpu.memref_squeeze %dma_start3A_500 : memref<1x!tpu.dma_semaphore, #tpu.memory_space<semaphore_mem>> -> memref<!tpu.dma_semaphore, #tpu.memory_space<semaphore_mem>>
      %dma_start3A_502 = arith.constant 0 : i32
      %dma_start3A_503 = tpu.memref_slice %arg4[%add3A_491, %dma_start3A_502] : memref<102400x128xf32, #tpu.memory_space<hbm>> -> memref<128x128xf32, #tpu.memory_space<hbm>>
      %dma_start3A_504 = arith.constant 0 : i32
      %dma_start3A_505 = arith.constant 0 : i32
      %dma_start3A_506 = tpu.memref_slice %arg6[%dma_start3A_492, %dma_start3A_504, %dma_start3A_505] : memref<5x128x128xf32, #tpu.memory_space<vmem>> -> memref<1x128x128xf32, #tpu.memory_space<vmem>>
      %dma_start3A_507 = tpu.memref_squeeze %dma_start3A_506 : memref<1x128x128xf32, #tpu.memory_space<vmem>> -> memref<128x128xf32, #tpu.memory_space<vmem>>
      tpu.enqueue_dma source(%dma_start3A_507 : memref<128x128xf32, #tpu.memory_space<vmem>>) target(%dma_start3A_503 : memref<128x128xf32, #tpu.memory_space<hbm>>) target_semaphore(%dma_start3A_501 : memref<!tpu.dma_semaphore, #tpu.memory_space<semaphore_mem>>)
      %mul3A_508 = arith.constant 5 : i32
      %mul3A_509 = arith.muli %scan3A_322, %mul3A_508 : i32
      %add3A_510 = arith.constant 0 : i32
      %add3A_511 = arith.addi %mul3A_509, %add3A_510 : i32
      %mul3A_512 = arith.constant 128 : i32
      %mul3A_513 = arith.muli %add3A_511, %mul3A_512 : i32
      %add3A_514 = arith.addi %mul3A_2, %mul3A_513 : i32
      %dma_wait3A_515 = arith.constant 0 : i32
      %dma_wait3A_516 = arith.constant 0 : i32
      %dma_wait3A_517 = arith.constant 0 : i32
      %dma_wait3A_518 = arith.constant 0 : i32
      %dma_wait3A_519 = tpu.memref_slice %arg6[%dma_wait3A_515, %dma_wait3A_517, %dma_wait3A_518] : memref<5x128x128xf32, #tpu.memory_space<vmem>> -> memref<1x128x128xf32, #tpu.memory_space<vmem>>
      %dma_wait3A_520 = tpu.memref_squeeze %dma_wait3A_519 : memref<1x128x128xf32, #tpu.memory_space<vmem>> -> memref<128x128xf32, #tpu.memory_space<vmem>>
      %dma_wait3A_521 = arith.constant 0 : i32
      %dma_wait3A_522 = tpu.memref_slice %arg4[%add3A_514, %dma_wait3A_521] : memref<102400x128xf32, #tpu.memory_space<hbm>> -> memref<128x128xf32, #tpu.memory_space<hbm>>
      %dma_wait3A_523 = tpu.memref_slice %arg8[%dma_wait3A_516] : memref<5x!tpu.dma_semaphore, #tpu.memory_space<semaphore_mem>> -> memref<1x!tpu.dma_semaphore, #tpu.memory_space<semaphore_mem>>
      %dma_wait3A_524 = tpu.memref_squeeze %dma_wait3A_523 : memref<1x!tpu.dma_semaphore, #tpu.memory_space<semaphore_mem>> -> memref<!tpu.dma_semaphore, #tpu.memory_space<semaphore_mem>>
      %dma_wait3A_525 = arith.constant 0 : i32
      %dma_wait3A_526 = tpu.memref_slice %arg4[%add3A_514, %dma_wait3A_525] : memref<102400x128xf32, #tpu.memory_space<hbm>> -> memref<128x128xf32, #tpu.memory_space<hbm>>
      %dma_wait3A_527 = arith.constant 0 : i32
      %dma_wait3A_528 = arith.constant 0 : i32
      %dma_wait3A_529 = tpu.memref_slice %arg6[%dma_wait3A_515, %dma_wait3A_527, %dma_wait3A_528] : memref<5x128x128xf32, #tpu.memory_space<vmem>> -> memref<1x128x128xf32, #tpu.memory_space<vmem>>
      %dma_wait3A_530 = tpu.memref_squeeze %dma_wait3A_529 : memref<1x128x128xf32, #tpu.memory_space<vmem>> -> memref<128x128xf32, #tpu.memory_space<vmem>>
      tpu.wait_dma2 semaphore(%dma_wait3A_524 : memref<!tpu.dma_semaphore, #tpu.memory_space<semaphore_mem>>) src(%dma_wait3A_530 : memref<128x128xf32, #tpu.memory_space<vmem>>) dst(%dma_wait3A_526 : memref<128x128xf32, #tpu.memory_space<hbm>>)
      %add3A_531 = arith.constant 1 : i32
      %add3A_532 = arith.addi %scan3A_322, %add3A_531 : i32
      %mul3A_533 = arith.constant 5 : i32
      %mul3A_534 = arith.muli %add3A_532, %mul3A_533 : i32
      %add3A_535 = arith.constant 0 : i32
      %add3A_536 = arith.addi %mul3A_534, %add3A_535 : i32
      %mul3A_537 = arith.constant 128 : i32
      %mul3A_538 = arith.muli %add3A_536, %mul3A_537 : i32
      %dma_start3A_539 = arith.constant 0 : i32
      %dma_start3A_540 = arith.constant 0 : i32
      %dma_start3A_541 = arith.constant 0 : i32
      %dma_start3A_542 = arith.constant 0 : i32
      %dma_start3A_543 = tpu.memref_slice %arg6[%dma_start3A_539, %dma_start3A_541, %dma_start3A_542] : memref<5x128x128xf32, #tpu.memory_space<vmem>> -> memref<1x128x128xf32, #tpu.memory_space<vmem>>
      %dma_start3A_544 = tpu.memref_squeeze %dma_start3A_543 : memref<1x128x128xf32, #tpu.memory_space<vmem>> -> memref<128x128xf32, #tpu.memory_space<vmem>>
      %dma_start3A_545 = tpu.memref_slice %arg5[%mul3A_538] : memref<3200xi32, #tpu.memory_space<vmem>> -> memref<128xi32, #tpu.memory_space<vmem>>
      %dma_start3A_546 = arith.constant 0 : i32
      %dma_start3A_547 = arith.constant 0 : i32
      %dma_start3A_548 = tpu.memref_slice %arg2[%dma_start3A_546, %dma_start3A_547] : memref<4096x128xf32, #tpu.memory_space<hbm>> -> memref<4096x128xf32, #tpu.memory_space<hbm>>
      %dma_start3A_549 = tpu.memref_slice %arg7[%dma_start3A_540] : memref<5x!tpu.dma_semaphore, #tpu.memory_space<semaphore_mem>> -> memref<1x!tpu.dma_semaphore, #tpu.memory_space<semaphore_mem>>
      %dma_start3A_550 = tpu.memref_squeeze %dma_start3A_549 : memref<1x!tpu.dma_semaphore, #tpu.memory_space<semaphore_mem>> -> memref<!tpu.dma_semaphore, #tpu.memory_space<semaphore_mem>>
      tpu.enqueue_indirect_dma source(%dma_start3A_548 : memref<4096x128xf32, #tpu.memory_space<hbm>>) target(%dma_start3A_544 : memref<128x128xf32, #tpu.memory_space<vmem>>) offsets(%dma_start3A_545 : memref<128xi32, #tpu.memory_space<vmem>>) semaphore(%dma_start3A_550 : memref<!tpu.dma_semaphore, #tpu.memory_space<semaphore_mem>>)
      %mul3A_551 = arith.constant 5 : i32
      %mul3A_552 = arith.muli %scan3A_322, %mul3A_551 : i32
      %add3A_553 = arith.constant 1 : i32
      %add3A_554 = arith.addi %mul3A_552, %add3A_553 : i32
      %mul3A_555 = arith.constant 128 : i32
      %mul3A_556 = arith.muli %add3A_554, %mul3A_555 : i32
      %add3A_557 = arith.addi %mul3A_2, %mul3A_556 : i32
      %dma_wait3A_558 = arith.constant 1 : i32
      %dma_wait3A_559 = arith.constant 1 : i32
      %dma_wait3A_560 = arith.constant 0 : i32
      %dma_wait3A_561 = arith.constant 0 : i32
      %dma_wait3A_562 = tpu.memref_slice %arg6[%dma_wait3A_558, %dma_wait3A_560, %dma_wait3A_561] : memref<5x128x128xf32, #tpu.memory_space<vmem>> -> memref<1x128x128xf32, #tpu.memory_space<vmem>>
      %dma_wait3A_563 = tpu.memref_squeeze %dma_wait3A_562 : memref<1x128x128xf32, #tpu.memory_space<vmem>> -> memref<128x128xf32, #tpu.memory_space<vmem>>
      %dma_wait3A_564 = arith.constant 0 : i32
      %dma_wait3A_565 = tpu.memref_slice %arg4[%add3A_557, %dma_wait3A_564] : memref<102400x128xf32, #tpu.memory_space<hbm>> -> memref<128x128xf32, #tpu.memory_space<hbm>>
      %dma_wait3A_566 = tpu.memref_slice %arg8[%dma_wait3A_559] : memref<5x!tpu.dma_semaphore, #tpu.memory_space<semaphore_mem>> -> memref<1x!tpu.dma_semaphore, #tpu.memory_space<semaphore_mem>>
      %dma_wait3A_567 = tpu.memref_squeeze %dma_wait3A_566 : memref<1x!tpu.dma_semaphore, #tpu.memory_space<semaphore_mem>> -> memref<!tpu.dma_semaphore, #tpu.memory_space<semaphore_mem>>
      %dma_wait3A_568 = arith.constant 0 : i32
      %dma_wait3A_569 = tpu.memref_slice %arg4[%add3A_557, %dma_wait3A_568] : memref<102400x128xf32, #tpu.memory_space<hbm>> -> memref<128x128xf32, #tpu.memory_space<hbm>>
      %dma_wait3A_570 = arith.constant 0 : i32
      %dma_wait3A_571 = arith.constant 0 : i32
      %dma_wait3A_572 = tpu.memref_slice %arg6[%dma_wait3A_558, %dma_wait3A_570, %dma_wait3A_571] : memref<5x128x128xf32, #tpu.memory_space<vmem>> -> memref<1x128x128xf32, #tpu.memory_space<vmem>>
      %dma_wait3A_573 = tpu.memref_squeeze %dma_wait3A_572 : memref<1x128x128xf32, #tpu.memory_space<vmem>> -> memref<128x128xf32, #tpu.memory_space<vmem>>
      tpu.wait_dma2 semaphore(%dma_wait3A_567 : memref<!tpu.dma_semaphore, #tpu.memory_space<semaphore_mem>>) src(%dma_wait3A_573 : memref<128x128xf32, #tpu.memory_space<vmem>>) dst(%dma_wait3A_569 : memref<128x128xf32, #tpu.memory_space<hbm>>)
      %add3A_574 = arith.constant 1 : i32
      %add3A_575 = arith.addi %scan3A_322, %add3A_574 : i32
      %mul3A_576 = arith.constant 5 : i32
      %mul3A_577 = arith.muli %add3A_575, %mul3A_576 : i32
      %add3A_578 = arith.constant 1 : i32
      %add3A_579 = arith.addi %mul3A_577, %add3A_578 : i32
      %mul3A_580 = arith.constant 128 : i32
      %mul3A_581 = arith.muli %add3A_579, %mul3A_580 : i32
      %dma_start3A_582 = arith.constant 1 : i32
      %dma_start3A_583 = arith.constant 1 : i32
      %dma_start3A_584 = arith.constant 0 : i32
      %dma_start3A_585 = arith.constant 0 : i32
      %dma_start3A_586 = tpu.memref_slice %arg6[%dma_start3A_582, %dma_start3A_584, %dma_start3A_585] : memref<5x128x128xf32, #tpu.memory_space<vmem>> -> memref<1x128x128xf32, #tpu.memory_space<vmem>>
      %dma_start3A_587 = tpu.memref_squeeze %dma_start3A_586 : memref<1x128x128xf32, #tpu.memory_space<vmem>> -> memref<128x128xf32, #tpu.memory_space<vmem>>
      %dma_start3A_588 = tpu.memref_slice %arg5[%mul3A_581] : memref<3200xi32, #tpu.memory_space<vmem>> -> memref<128xi32, #tpu.memory_space<vmem>>
      %dma_start3A_589 = arith.constant 0 : i32
      %dma_start3A_590 = arith.constant 0 : i32
      %dma_start3A_591 = tpu.memref_slice %arg2[%dma_start3A_589, %dma_start3A_590] : memref<4096x128xf32, #tpu.memory_space<hbm>> -> memref<4096x128xf32, #tpu.memory_space<hbm>>
      %dma_start3A_592 = tpu.memref_slice %arg7[%dma_start3A_583] : memref<5x!tpu.dma_semaphore, #tpu.memory_space<semaphore_mem>> -> memref<1x!tpu.dma_semaphore, #tpu.memory_space<semaphore_mem>>
      %dma_start3A_593 = tpu.memref_squeeze %dma_start3A_592 : memref<1x!tpu.dma_semaphore, #tpu.memory_space<semaphore_mem>> -> memref<!tpu.dma_semaphore, #tpu.memory_space<semaphore_mem>>
      tpu.enqueue_indirect_dma source(%dma_start3A_591 : memref<4096x128xf32, #tpu.memory_space<hbm>>) target(%dma_start3A_587 : memref<128x128xf32, #tpu.memory_space<vmem>>) offsets(%dma_start3A_588 : memref<128xi32, #tpu.memory_space<vmem>>) semaphore(%dma_start3A_593 : memref<!tpu.dma_semaphore, #tpu.memory_space<semaphore_mem>>)
      %mul3A_594 = arith.constant 5 : i32
      %mul3A_595 = arith.muli %scan3A_322, %mul3A_594 : i32
      %add3A_596 = arith.constant 2 : i32
      %add3A_597 = arith.addi %mul3A_595, %add3A_596 : i32
      %mul3A_598 = arith.constant 128 : i32
      %mul3A_599 = arith.muli %add3A_597, %mul3A_598 : i32
      %add3A_600 = arith.addi %mul3A_2, %mul3A_599 : i32
      %dma_wait3A_601 = arith.constant 2 : i32
      %dma_wait3A_602 = arith.constant 2 : i32
      %dma_wait3A_603 = arith.constant 0 : i32
      %dma_wait3A_604 = arith.constant 0 : i32
      %dma_wait3A_605 = tpu.memref_slice %arg6[%dma_wait3A_601, %dma_wait3A_603, %dma_wait3A_604] : memref<5x128x128xf32, #tpu.memory_space<vmem>> -> memref<1x128x128xf32, #tpu.memory_space<vmem>>
      %dma_wait3A_606 = tpu.memref_squeeze %dma_wait3A_605 : memref<1x128x128xf32, #tpu.memory_space<vmem>> -> memref<128x128xf32, #tpu.memory_space<vmem>>
      %dma_wait3A_607 = arith.constant 0 : i32
      %dma_wait3A_608 = tpu.memref_slice %arg4[%add3A_600, %dma_wait3A_607] : memref<102400x128xf32, #tpu.memory_space<hbm>> -> memref<128x128xf32, #tpu.memory_space<hbm>>
      %dma_wait3A_609 = tpu.memref_slice %arg8[%dma_wait3A_602] : memref<5x!tpu.dma_semaphore, #tpu.memory_space<semaphore_mem>> -> memref<1x!tpu.dma_semaphore, #tpu.memory_space<semaphore_mem>>
      %dma_wait3A_610 = tpu.memref_squeeze %dma_wait3A_609 : memref<1x!tpu.dma_semaphore, #tpu.memory_space<semaphore_mem>> -> memref<!tpu.dma_semaphore, #tpu.memory_space<semaphore_mem>>
      %dma_wait3A_611 = arith.constant 0 : i32
      %dma_wait3A_612 = tpu.memref_slice %arg4[%add3A_600, %dma_wait3A_611] : memref<102400x128xf32, #tpu.memory_space<hbm>> -> memref<128x128xf32, #tpu.memory_space<hbm>>
      %dma_wait3A_613 = arith.constant 0 : i32
      %dma_wait3A_614 = arith.constant 0 : i32
      %dma_wait3A_615 = tpu.memref_slice %arg6[%dma_wait3A_601, %dma_wait3A_613, %dma_wait3A_614] : memref<5x128x128xf32, #tpu.memory_space<vmem>> -> memref<1x128x128xf32, #tpu.memory_space<vmem>>
      %dma_wait3A_616 = tpu.memref_squeeze %dma_wait3A_615 : memref<1x128x128xf32, #tpu.memory_space<vmem>> -> memref<128x128xf32, #tpu.memory_space<vmem>>
      tpu.wait_dma2 semaphore(%dma_wait3A_610 : memref<!tpu.dma_semaphore, #tpu.memory_space<semaphore_mem>>) src(%dma_wait3A_616 : memref<128x128xf32, #tpu.memory_space<vmem>>) dst(%dma_wait3A_612 : memref<128x128xf32, #tpu.memory_space<hbm>>)
      %add3A_617 = arith.constant 1 : i32
      %add3A_618 = arith.addi %scan3A_322, %add3A_617 : i32
      %mul3A_619 = arith.constant 5 : i32
      %mul3A_620 = arith.muli %add3A_618, %mul3A_619 : i32
      %add3A_621 = arith.constant 2 : i32
      %add3A_622 = arith.addi %mul3A_620, %add3A_621 : i32
      %mul3A_623 = arith.constant 128 : i32
      %mul3A_624 = arith.muli %add3A_622, %mul3A_623 : i32
      %dma_start3A_625 = arith.constant 2 : i32
      %dma_start3A_626 = arith.constant 2 : i32
      %dma_start3A_627 = arith.constant 0 : i32
      %dma_start3A_628 = arith.constant 0 : i32
      %dma_start3A_629 = tpu.memref_slice %arg6[%dma_start3A_625, %dma_start3A_627, %dma_start3A_628] : memref<5x128x128xf32, #tpu.memory_space<vmem>> -> memref<1x128x128xf32, #tpu.memory_space<vmem>>
      %dma_start3A_630 = tpu.memref_squeeze %dma_start3A_629 : memref<1x128x128xf32, #tpu.memory_space<vmem>> -> memref<128x128xf32, #tpu.memory_space<vmem>>
      %dma_start3A_631 = tpu.memref_slice %arg5[%mul3A_624] : memref<3200xi32, #tpu.memory_space<vmem>> -> memref<128xi32, #tpu.memory_space<vmem>>
      %dma_start3A_632 = arith.constant 0 : i32
      %dma_start3A_633 = arith.constant 0 : i32
      %dma_start3A_634 = tpu.memref_slice %arg2[%dma_start3A_632, %dma_start3A_633] : memref<4096x128xf32, #tpu.memory_space<hbm>> -> memref<4096x128xf32, #tpu.memory_space<hbm>>
      %dma_start3A_635 = tpu.memref_slice %arg7[%dma_start3A_626] : memref<5x!tpu.dma_semaphore, #tpu.memory_space<semaphore_mem>> -> memref<1x!tpu.dma_semaphore, #tpu.memory_space<semaphore_mem>>
      %dma_start3A_636 = tpu.memref_squeeze %dma_start3A_635 : memref<1x!tpu.dma_semaphore, #tpu.memory_space<semaphore_mem>> -> memref<!tpu.dma_semaphore, #tpu.memory_space<semaphore_mem>>
      tpu.enqueue_indirect_dma source(%dma_start3A_634 : memref<4096x128xf32, #tpu.memory_space<hbm>>) target(%dma_start3A_630 : memref<128x128xf32, #tpu.memory_space<vmem>>) offsets(%dma_start3A_631 : memref<128xi32, #tpu.memory_space<vmem>>) semaphore(%dma_start3A_636 : memref<!tpu.dma_semaphore, #tpu.memory_space<semaphore_mem>>)
      %mul3A_637 = arith.constant 5 : i32
      %mul3A_638 = arith.muli %scan3A_322, %mul3A_637 : i32
      %add3A_639 = arith.constant 3 : i32
      %add3A_640 = arith.addi %mul3A_638, %add3A_639 : i32
      %mul3A_641 = arith.constant 128 : i32
      %mul3A_642 = arith.muli %add3A_640, %mul3A_641 : i32
      %add3A_643 = arith.addi %mul3A_2, %mul3A_642 : i32
      %dma_wait3A_644 = arith.constant 3 : i32
      %dma_wait3A_645 = arith.constant 3 : i32
      %dma_wait3A_646 = arith.constant 0 : i32
      %dma_wait3A_647 = arith.constant 0 : i32
      %dma_wait3A_648 = tpu.memref_slice %arg6[%dma_wait3A_644, %dma_wait3A_646, %dma_wait3A_647] : memref<5x128x128xf32, #tpu.memory_space<vmem>> -> memref<1x128x128xf32, #tpu.memory_space<vmem>>
      %dma_wait3A_649 = tpu.memref_squeeze %dma_wait3A_648 : memref<1x128x128xf32, #tpu.memory_space<vmem>> -> memref<128x128xf32, #tpu.memory_space<vmem>>
      %dma_wait3A_650 = arith.constant 0 : i32
      %dma_wait3A_651 = tpu.memref_slice %arg4[%add3A_643, %dma_wait3A_650] : memref<102400x128xf32, #tpu.memory_space<hbm>> -> memref<128x128xf32, #tpu.memory_space<hbm>>
      %dma_wait3A_652 = tpu.memref_slice %arg8[%dma_wait3A_645] : memref<5x!tpu.dma_semaphore, #tpu.memory_space<semaphore_mem>> -> memref<1x!tpu.dma_semaphore, #tpu.memory_space<semaphore_mem>>
      %dma_wait3A_653 = tpu.memref_squeeze %dma_wait3A_652 : memref<1x!tpu.dma_semaphore, #tpu.memory_space<semaphore_mem>> -> memref<!tpu.dma_semaphore, #tpu.memory_space<semaphore_mem>>
      %dma_wait3A_654 = arith.constant 0 : i32
      %dma_wait3A_655 = tpu.memref_slice %arg4[%add3A_643, %dma_wait3A_654] : memref<102400x128xf32, #tpu.memory_space<hbm>> -> memref<128x128xf32, #tpu.memory_space<hbm>>
      %dma_wait3A_656 = arith.constant 0 : i32
      %dma_wait3A_657 = arith.constant 0 : i32
      %dma_wait3A_658 = tpu.memref_slice %arg6[%dma_wait3A_644, %dma_wait3A_656, %dma_wait3A_657] : memref<5x128x128xf32, #tpu.memory_space<vmem>> -> memref<1x128x128xf32, #tpu.memory_space<vmem>>
      %dma_wait3A_659 = tpu.memref_squeeze %dma_wait3A_658 : memref<1x128x128xf32, #tpu.memory_space<vmem>> -> memref<128x128xf32, #tpu.memory_space<vmem>>
      tpu.wait_dma2 semaphore(%dma_wait3A_653 : memref<!tpu.dma_semaphore, #tpu.memory_space<semaphore_mem>>) src(%dma_wait3A_659 : memref<128x128xf32, #tpu.memory_space<vmem>>) dst(%dma_wait3A_655 : memref<128x128xf32, #tpu.memory_space<hbm>>)
      %add3A_660 = arith.constant 1 : i32
      %add3A_661 = arith.addi %scan3A_322, %add3A_660 : i32
      %mul3A_662 = arith.constant 5 : i32
      %mul3A_663 = arith.muli %add3A_661, %mul3A_662 : i32
      %add3A_664 = arith.constant 3 : i32
      %add3A_665 = arith.addi %mul3A_663, %add3A_664 : i32
      %mul3A_666 = arith.constant 128 : i32
      %mul3A_667 = arith.muli %add3A_665, %mul3A_666 : i32
      %dma_start3A_668 = arith.constant 3 : i32
      %dma_start3A_669 = arith.constant 3 : i32
      %dma_start3A_670 = arith.constant 0 : i32
      %dma_start3A_671 = arith.constant 0 : i32
      %dma_start3A_672 = tpu.memref_slice %arg6[%dma_start3A_668, %dma_start3A_670, %dma_start3A_671] : memref<5x128x128xf32, #tpu.memory_space<vmem>> -> memref<1x128x128xf32, #tpu.memory_space<vmem>>
      %dma_start3A_673 = tpu.memref_squeeze %dma_start3A_672 : memref<1x128x128xf32, #tpu.memory_space<vmem>> -> memref<128x128xf32, #tpu.memory_space<vmem>>
      %dma_start3A_674 = tpu.memref_slice %arg5[%mul3A_667] : memref<3200xi32, #tpu.memory_space<vmem>> -> memref<128xi32, #tpu.memory_space<vmem>>
      %dma_start3A_675 = arith.constant 0 : i32
      %dma_start3A_676 = arith.constant 0 : i32
      %dma_start3A_677 = tpu.memref_slice %arg2[%dma_start3A_675, %dma_start3A_676] : memref<4096x128xf32, #tpu.memory_space<hbm>> -> memref<4096x128xf32, #tpu.memory_space<hbm>>
      %dma_start3A_678 = tpu.memref_slice %arg7[%dma_start3A_669] : memref<5x!tpu.dma_semaphore, #tpu.memory_space<semaphore_mem>> -> memref<1x!tpu.dma_semaphore, #tpu.memory_space<semaphore_mem>>
      %dma_start3A_679 = tpu.memref_squeeze %dma_start3A_678 : memref<1x!tpu.dma_semaphore, #tpu.memory_space<semaphore_mem>> -> memref<!tpu.dma_semaphore, #tpu.memory_space<semaphore_mem>>
      tpu.enqueue_indirect_dma source(%dma_start3A_677 : memref<4096x128xf32, #tpu.memory_space<hbm>>) target(%dma_start3A_673 : memref<128x128xf32, #tpu.memory_space<vmem>>) offsets(%dma_start3A_674 : memref<128xi32, #tpu.memory_space<vmem>>) semaphore(%dma_start3A_679 : memref<!tpu.dma_semaphore, #tpu.memory_space<semaphore_mem>>)
      %mul3A_680 = arith.constant 5 : i32
      %mul3A_681 = arith.muli %scan3A_322, %mul3A_680 : i32
      %add3A_682 = arith.constant 4 : i32
      %add3A_683 = arith.addi %mul3A_681, %add3A_682 : i32
      %mul3A_684 = arith.constant 128 : i32
      %mul3A_685 = arith.muli %add3A_683, %mul3A_684 : i32
      %add3A_686 = arith.addi %mul3A_2, %mul3A_685 : i32
      %dma_wait3A_687 = arith.constant 4 : i32
      %dma_wait3A_688 = arith.constant 4 : i32
      %dma_wait3A_689 = arith.constant 0 : i32
      %dma_wait3A_690 = arith.constant 0 : i32
      %dma_wait3A_691 = tpu.memref_slice %arg6[%dma_wait3A_687, %dma_wait3A_689, %dma_wait3A_690] : memref<5x128x128xf32, #tpu.memory_space<vmem>> -> memref<1x128x128xf32, #tpu.memory_space<vmem>>
      %dma_wait3A_692 = tpu.memref_squeeze %dma_wait3A_691 : memref<1x128x128xf32, #tpu.memory_space<vmem>> -> memref<128x128xf32, #tpu.memory_space<vmem>>
      %dma_wait3A_693 = arith.constant 0 : i32
      %dma_wait3A_694 = tpu.memref_slice %arg4[%add3A_686, %dma_wait3A_693] : memref<102400x128xf32, #tpu.memory_space<hbm>> -> memref<128x128xf32, #tpu.memory_space<hbm>>
      %dma_wait3A_695 = tpu.memref_slice %arg8[%dma_wait3A_688] : memref<5x!tpu.dma_semaphore, #tpu.memory_space<semaphore_mem>> -> memref<1x!tpu.dma_semaphore, #tpu.memory_space<semaphore_mem>>
      %dma_wait3A_696 = tpu.memref_squeeze %dma_wait3A_695 : memref<1x!tpu.dma_semaphore, #tpu.memory_space<semaphore_mem>> -> memref<!tpu.dma_semaphore, #tpu.memory_space<semaphore_mem>>
      %dma_wait3A_697 = arith.constant 0 : i32
      %dma_wait3A_698 = tpu.memref_slice %arg4[%add3A_686, %dma_wait3A_697] : memref<102400x128xf32, #tpu.memory_space<hbm>> -> memref<128x128xf32, #tpu.memory_space<hbm>>
      %dma_wait3A_699 = arith.constant 0 : i32
      %dma_wait3A_700 = arith.constant 0 : i32
      %dma_wait3A_701 = tpu.memref_slice %arg6[%dma_wait3A_687, %dma_wait3A_699, %dma_wait3A_700] : memref<5x128x128xf32, #tpu.memory_space<vmem>> -> memref<1x128x128xf32, #tpu.memory_space<vmem>>
      %dma_wait3A_702 = tpu.memref_squeeze %dma_wait3A_701 : memref<1x128x128xf32, #tpu.memory_space<vmem>> -> memref<128x128xf32, #tpu.memory_space<vmem>>
      tpu.wait_dma2 semaphore(%dma_wait3A_696 : memref<!tpu.dma_semaphore, #tpu.memory_space<semaphore_mem>>) src(%dma_wait3A_702 : memref<128x128xf32, #tpu.memory_space<vmem>>) dst(%dma_wait3A_698 : memref<128x128xf32, #tpu.memory_space<hbm>>)
      %add3A_703 = arith.constant 1 : i32
      %add3A_704 = arith.addi %scan3A_322, %add3A_703 : i32
      %mul3A_705 = arith.constant 5 : i32
      %mul3A_706 = arith.muli %add3A_704, %mul3A_705 : i32
      %add3A_707 = arith.constant 4 : i32
      %add3A_708 = arith.addi %mul3A_706, %add3A_707 : i32
      %mul3A_709 = arith.constant 128 : i32
      %mul3A_710 = arith.muli %add3A_708, %mul3A_709 : i32
      %dma_start3A_711 = arith.constant 4 : i32
      %dma_start3A_712 = arith.constant 4 : i32
      %dma_start3A_713 = arith.constant 0 : i32
      %dma_start3A_714 = arith.constant 0 : i32
      %dma_start3A_715 = tpu.memref_slice %arg6[%dma_start3A_711, %dma_start3A_713, %dma_start3A_714] : memref<5x128x128xf32, #tpu.memory_space<vmem>> -> memref<1x128x128xf32, #tpu.memory_space<vmem>>
      %dma_start3A_716 = tpu.memref_squeeze %dma_start3A_715 : memref<1x128x128xf32, #tpu.memory_space<vmem>> -> memref<128x128xf32, #tpu.memory_space<vmem>>
      %dma_start3A_717 = tpu.memref_slice %arg5[%mul3A_710] : memref<3200xi32, #tpu.memory_space<vmem>> -> memref<128xi32, #tpu.memory_space<vmem>>
      %dma_start3A_718 = arith.constant 0 : i32
      %dma_start3A_719 = arith.constant 0 : i32
      %dma_start3A_720 = tpu.memref_slice %arg2[%dma_start3A_718, %dma_start3A_719] : memref<4096x128xf32, #tpu.memory_space<hbm>> -> memref<4096x128xf32, #tpu.memory_space<hbm>>
      %dma_start3A_721 = tpu.memref_slice %arg7[%dma_start3A_712] : memref<5x!tpu.dma_semaphore, #tpu.memory_space<semaphore_mem>> -> memref<1x!tpu.dma_semaphore, #tpu.memory_space<semaphore_mem>>
      %dma_start3A_722 = tpu.memref_squeeze %dma_start3A_721 : memref<1x!tpu.dma_semaphore, #tpu.memory_space<semaphore_mem>> -> memref<!tpu.dma_semaphore, #tpu.memory_space<semaphore_mem>>
      tpu.enqueue_indirect_dma source(%dma_start3A_720 : memref<4096x128xf32, #tpu.memory_space<hbm>>) target(%dma_start3A_716 : memref<128x128xf32, #tpu.memory_space<vmem>>) offsets(%dma_start3A_717 : memref<128xi32, #tpu.memory_space<vmem>>) semaphore(%dma_start3A_722 : memref<!tpu.dma_semaphore, #tpu.memory_space<semaphore_mem>>)
    }
    %scan3A_77 = arith.constant 4 : i32
    %dma_wait3A = arith.constant 0 : i32
    %dma_wait3A_78 = arith.constant 0 : i32
    %dma_wait3A_79 = arith.constant 0 : i32
    %dma_wait3A_80 = arith.constant 0 : i32
    %dma_wait3A_81 = tpu.memref_slice %arg6[%dma_wait3A, %dma_wait3A_79, %dma_wait3A_80] : memref<5x128x128xf32, #tpu.memory_space<vmem>> -> memref<1x128x128xf32, #tpu.memory_space<vmem>>
    %dma_wait3A_82 = tpu.memref_squeeze %dma_wait3A_81 : memref<1x128x128xf32, #tpu.memory_space<vmem>> -> memref<128x128xf32, #tpu.memory_space<vmem>>
    %dma_wait3A_83 = arith.constant 2560 : i32
    %dma_wait3A_84 = tpu.memref_slice %arg5[%dma_wait3A_83] : memref<3200xi32, #tpu.memory_space<vmem>> -> memref<128xi32, #tpu.memory_space<vmem>>
    %dma_wait3A_85 = arith.constant 0 : i32
    %dma_wait3A_86 = arith.constant 0 : i32
    %dma_wait3A_87 = tpu.memref_slice %arg2[%dma_wait3A_85, %dma_wait3A_86] : memref<4096x128xf32, #tpu.memory_space<hbm>> -> memref<4096x128xf32, #tpu.memory_space<hbm>>
    %dma_wait3A_88 = tpu.memref_slice %arg7[%dma_wait3A_78] : memref<5x!tpu.dma_semaphore, #tpu.memory_space<semaphore_mem>> -> memref<1x!tpu.dma_semaphore, #tpu.memory_space<semaphore_mem>>
    %dma_wait3A_89 = tpu.memref_squeeze %dma_wait3A_88 : memref<1x!tpu.dma_semaphore, #tpu.memory_space<semaphore_mem>> -> memref<!tpu.dma_semaphore, #tpu.memory_space<semaphore_mem>>
    tpu.wait_indirect_dma semaphore(%dma_wait3A_89 : memref<!tpu.dma_semaphore, #tpu.memory_space<semaphore_mem>>) src(%dma_wait3A_87 : memref<4096x128xf32, #tpu.memory_space<hbm>>) dst(%dma_wait3A_82 : memref<128x128xf32, #tpu.memory_space<vmem>>)
    %add3A_90 = arith.constant 2560 : i32
    %add3A_91 = arith.addi %mul3A_2, %add3A_90 : i32
    %dma_start3A_92 = arith.constant 0 : i32
    %dma_start3A_93 = arith.constant 0 : i32
    %dma_start3A_94 = arith.constant 0 : i32
    %dma_start3A_95 = arith.constant 0 : i32
    %dma_start3A_96 = tpu.memref_slice %arg6[%dma_start3A_92, %dma_start3A_94, %dma_start3A_95] : memref<5x128x128xf32, #tpu.memory_space<vmem>> -> memref<1x128x128xf32, #tpu.memory_space<vmem>>
    %dma_start3A_97 = tpu.memref_squeeze %dma_start3A_96 : memref<1x128x128xf32, #tpu.memory_space<vmem>> -> memref<128x128xf32, #tpu.memory_space<vmem>>
    %dma_start3A_98 = arith.constant 0 : i32
    %dma_start3A_99 = tpu.memref_slice %arg4[%add3A_91, %dma_start3A_98] : memref<102400x128xf32, #tpu.memory_space<hbm>> -> memref<128x128xf32, #tpu.memory_space<hbm>>
    %dma_start3A_100 = tpu.memref_slice %arg8[%dma_start3A_93] : memref<5x!tpu.dma_semaphore, #tpu.memory_space<semaphore_mem>> -> memref<1x!tpu.dma_semaphore, #tpu.memory_space<semaphore_mem>>
    %dma_start3A_101 = tpu.memref_squeeze %dma_start3A_100 : memref<1x!tpu.dma_semaphore, #tpu.memory_space<semaphore_mem>> -> memref<!tpu.dma_semaphore, #tpu.memory_space<semaphore_mem>>
    %dma_start3A_102 = arith.constant 0 : i32
    %dma_start3A_103 = tpu.memref_slice %arg4[%add3A_91, %dma_start3A_102] : memref<102400x128xf32, #tpu.memory_space<hbm>> -> memref<128x128xf32, #tpu.memory_space<hbm>>
    %dma_start3A_104 = arith.constant 0 : i32
    %dma_start3A_105 = arith.constant 0 : i32
    %dma_start3A_106 = tpu.memref_slice %arg6[%dma_start3A_92, %dma_start3A_104, %dma_start3A_105] : memref<5x128x128xf32, #tpu.memory_space<vmem>> -> memref<1x128x128xf32, #tpu.memory_space<vmem>>
    %dma_start3A_107 = tpu.memref_squeeze %dma_start3A_106 : memref<1x128x128xf32, #tpu.memory_space<vmem>> -> memref<128x128xf32, #tpu.memory_space<vmem>>
    tpu.enqueue_dma source(%dma_start3A_107 : memref<128x128xf32, #tpu.memory_space<vmem>>) target(%dma_start3A_103 : memref<128x128xf32, #tpu.memory_space<hbm>>) target_semaphore(%dma_start3A_101 : memref<!tpu.dma_semaphore, #tpu.memory_space<semaphore_mem>>)
    %dma_wait3A_108 = arith.constant 1 : i32
    %dma_wait3A_109 = arith.constant 1 : i32
    %dma_wait3A_110 = arith.constant 0 : i32
    %dma_wait3A_111 = arith.constant 0 : i32
    %dma_wait3A_112 = tpu.memref_slice %arg6[%dma_wait3A_108, %dma_wait3A_110, %dma_wait3A_111] : memref<5x128x128xf32, #tpu.memory_space<vmem>> -> memref<1x128x128xf32, #tpu.memory_space<vmem>>
    %dma_wait3A_113 = tpu.memref_squeeze %dma_wait3A_112 : memref<1x128x128xf32, #tpu.memory_space<vmem>> -> memref<128x128xf32, #tpu.memory_space<vmem>>
    %dma_wait3A_114 = arith.constant 2688 : i32
    %dma_wait3A_115 = tpu.memref_slice %arg5[%dma_wait3A_114] : memref<3200xi32, #tpu.memory_space<vmem>> -> memref<128xi32, #tpu.memory_space<vmem>>
    %dma_wait3A_116 = arith.constant 0 : i32
    %dma_wait3A_117 = arith.constant 0 : i32
    %dma_wait3A_118 = tpu.memref_slice %arg2[%dma_wait3A_116, %dma_wait3A_117] : memref<4096x128xf32, #tpu.memory_space<hbm>> -> memref<4096x128xf32, #tpu.memory_space<hbm>>
    %dma_wait3A_119 = tpu.memref_slice %arg7[%dma_wait3A_109] : memref<5x!tpu.dma_semaphore, #tpu.memory_space<semaphore_mem>> -> memref<1x!tpu.dma_semaphore, #tpu.memory_space<semaphore_mem>>
    %dma_wait3A_120 = tpu.memref_squeeze %dma_wait3A_119 : memref<1x!tpu.dma_semaphore, #tpu.memory_space<semaphore_mem>> -> memref<!tpu.dma_semaphore, #tpu.memory_space<semaphore_mem>>
    tpu.wait_indirect_dma semaphore(%dma_wait3A_120 : memref<!tpu.dma_semaphore, #tpu.memory_space<semaphore_mem>>) src(%dma_wait3A_118 : memref<4096x128xf32, #tpu.memory_space<hbm>>) dst(%dma_wait3A_113 : memref<128x128xf32, #tpu.memory_space<vmem>>)
    %add3A_121 = arith.constant 2688 : i32
    %add3A_122 = arith.addi %mul3A_2, %add3A_121 : i32
    %dma_start3A_123 = arith.constant 1 : i32
    %dma_start3A_124 = arith.constant 1 : i32
    %dma_start3A_125 = arith.constant 0 : i32
    %dma_start3A_126 = arith.constant 0 : i32
    %dma_start3A_127 = tpu.memref_slice %arg6[%dma_start3A_123, %dma_start3A_125, %dma_start3A_126] : memref<5x128x128xf32, #tpu.memory_space<vmem>> -> memref<1x128x128xf32, #tpu.memory_space<vmem>>
    %dma_start3A_128 = tpu.memref_squeeze %dma_start3A_127 : memref<1x128x128xf32, #tpu.memory_space<vmem>> -> memref<128x128xf32, #tpu.memory_space<vmem>>
    %dma_start3A_129 = arith.constant 0 : i32
    %dma_start3A_130 = tpu.memref_slice %arg4[%add3A_122, %dma_start3A_129] : memref<102400x128xf32, #tpu.memory_space<hbm>> -> memref<128x128xf32, #tpu.memory_space<hbm>>
    %dma_start3A_131 = tpu.memref_slice %arg8[%dma_start3A_124] : memref<5x!tpu.dma_semaphore, #tpu.memory_space<semaphore_mem>> -> memref<1x!tpu.dma_semaphore, #tpu.memory_space<semaphore_mem>>
    %dma_start3A_132 = tpu.memref_squeeze %dma_start3A_131 : memref<1x!tpu.dma_semaphore, #tpu.memory_space<semaphore_mem>> -> memref<!tpu.dma_semaphore, #tpu.memory_space<semaphore_mem>>
    %dma_start3A_133 = arith.constant 0 : i32
    %dma_start3A_134 = tpu.memref_slice %arg4[%add3A_122, %dma_start3A_133] : memref<102400x128xf32, #tpu.memory_space<hbm>> -> memref<128x128xf32, #tpu.memory_space<hbm>>
    %dma_start3A_135 = arith.constant 0 : i32
    %dma_start3A_136 = arith.constant 0 : i32
    %dma_start3A_137 = tpu.memref_slice %arg6[%dma_start3A_123, %dma_start3A_135, %dma_start3A_136] : memref<5x128x128xf32, #tpu.memory_space<vmem>> -> memref<1x128x128xf32, #tpu.memory_space<vmem>>
    %dma_start3A_138 = tpu.memref_squeeze %dma_start3A_137 : memref<1x128x128xf32, #tpu.memory_space<vmem>> -> memref<128x128xf32, #tpu.memory_space<vmem>>
    tpu.enqueue_dma source(%dma_start3A_138 : memref<128x128xf32, #tpu.memory_space<vmem>>) target(%dma_start3A_134 : memref<128x128xf32, #tpu.memory_space<hbm>>) target_semaphore(%dma_start3A_132 : memref<!tpu.dma_semaphore, #tpu.memory_space<semaphore_mem>>)
    %dma_wait3A_139 = arith.constant 2 : i32
    %dma_wait3A_140 = arith.constant 2 : i32
    %dma_wait3A_141 = arith.constant 0 : i32
    %dma_wait3A_142 = arith.constant 0 : i32
    %dma_wait3A_143 = tpu.memref_slice %arg6[%dma_wait3A_139, %dma_wait3A_141, %dma_wait3A_142] : memref<5x128x128xf32, #tpu.memory_space<vmem>> -> memref<1x128x128xf32, #tpu.memory_space<vmem>>
    %dma_wait3A_144 = tpu.memref_squeeze %dma_wait3A_143 : memref<1x128x128xf32, #tpu.memory_space<vmem>> -> memref<128x128xf32, #tpu.memory_space<vmem>>
    %dma_wait3A_145 = arith.constant 2816 : i32
    %dma_wait3A_146 = tpu.memref_slice %arg5[%dma_wait3A_145] : memref<3200xi32, #tpu.memory_space<vmem>> -> memref<128xi32, #tpu.memory_space<vmem>>
    %dma_wait3A_147 = arith.constant 0 : i32
    %dma_wait3A_148 = arith.constant 0 : i32
    %dma_wait3A_149 = tpu.memref_slice %arg2[%dma_wait3A_147, %dma_wait3A_148] : memref<4096x128xf32, #tpu.memory_space<hbm>> -> memref<4096x128xf32, #tpu.memory_space<hbm>>
    %dma_wait3A_150 = tpu.memref_slice %arg7[%dma_wait3A_140] : memref<5x!tpu.dma_semaphore, #tpu.memory_space<semaphore_mem>> -> memref<1x!tpu.dma_semaphore, #tpu.memory_space<semaphore_mem>>
    %dma_wait3A_151 = tpu.memref_squeeze %dma_wait3A_150 : memref<1x!tpu.dma_semaphore, #tpu.memory_space<semaphore_mem>> -> memref<!tpu.dma_semaphore, #tpu.memory_space<semaphore_mem>>
    tpu.wait_indirect_dma semaphore(%dma_wait3A_151 : memref<!tpu.dma_semaphore, #tpu.memory_space<semaphore_mem>>) src(%dma_wait3A_149 : memref<4096x128xf32, #tpu.memory_space<hbm>>) dst(%dma_wait3A_144 : memref<128x128xf32, #tpu.memory_space<vmem>>)
    %add3A_152 = arith.constant 2816 : i32
    %add3A_153 = arith.addi %mul3A_2, %add3A_152 : i32
    %dma_start3A_154 = arith.constant 2 : i32
    %dma_start3A_155 = arith.constant 2 : i32
    %dma_start3A_156 = arith.constant 0 : i32
    %dma_start3A_157 = arith.constant 0 : i32
    %dma_start3A_158 = tpu.memref_slice %arg6[%dma_start3A_154, %dma_start3A_156, %dma_start3A_157] : memref<5x128x128xf32, #tpu.memory_space<vmem>> -> memref<1x128x128xf32, #tpu.memory_space<vmem>>
    %dma_start3A_159 = tpu.memref_squeeze %dma_start3A_158 : memref<1x128x128xf32, #tpu.memory_space<vmem>> -> memref<128x128xf32, #tpu.memory_space<vmem>>
    %dma_start3A_160 = arith.constant 0 : i32
    %dma_start3A_161 = tpu.memref_slice %arg4[%add3A_153, %dma_start3A_160] : memref<102400x128xf32, #tpu.memory_space<hbm>> -> memref<128x128xf32, #tpu.memory_space<hbm>>
    %dma_start3A_162 = tpu.memref_slice %arg8[%dma_start3A_155] : memref<5x!tpu.dma_semaphore, #tpu.memory_space<semaphore_mem>> -> memref<1x!tpu.dma_semaphore, #tpu.memory_space<semaphore_mem>>
    %dma_start3A_163 = tpu.memref_squeeze %dma_start3A_162 : memref<1x!tpu.dma_semaphore, #tpu.memory_space<semaphore_mem>> -> memref<!tpu.dma_semaphore, #tpu.memory_space<semaphore_mem>>
    %dma_start3A_164 = arith.constant 0 : i32
    %dma_start3A_165 = tpu.memref_slice %arg4[%add3A_153, %dma_start3A_164] : memref<102400x128xf32, #tpu.memory_space<hbm>> -> memref<128x128xf32, #tpu.memory_space<hbm>>
    %dma_start3A_166 = arith.constant 0 : i32
    %dma_start3A_167 = arith.constant 0 : i32
    %dma_start3A_168 = tpu.memref_slice %arg6[%dma_start3A_154, %dma_start3A_166, %dma_start3A_167] : memref<5x128x128xf32, #tpu.memory_space<vmem>> -> memref<1x128x128xf32, #tpu.memory_space<vmem>>
    %dma_start3A_169 = tpu.memref_squeeze %dma_start3A_168 : memref<1x128x128xf32, #tpu.memory_space<vmem>> -> memref<128x128xf32, #tpu.memory_space<vmem>>
    tpu.enqueue_dma source(%dma_start3A_169 : memref<128x128xf32, #tpu.memory_space<vmem>>) target(%dma_start3A_165 : memref<128x128xf32, #tpu.memory_space<hbm>>) target_semaphore(%dma_start3A_163 : memref<!tpu.dma_semaphore, #tpu.memory_space<semaphore_mem>>)
    %dma_wait3A_170 = arith.constant 3 : i32
    %dma_wait3A_171 = arith.constant 3 : i32
    %dma_wait3A_172 = arith.constant 0 : i32
    %dma_wait3A_173 = arith.constant 0 : i32
    %dma_wait3A_174 = tpu.memref_slice %arg6[%dma_wait3A_170, %dma_wait3A_172, %dma_wait3A_173] : memref<5x128x128xf32, #tpu.memory_space<vmem>> -> memref<1x128x128xf32, #tpu.memory_space<vmem>>
    %dma_wait3A_175 = tpu.memref_squeeze %dma_wait3A_174 : memref<1x128x128xf32, #tpu.memory_space<vmem>> -> memref<128x128xf32, #tpu.memory_space<vmem>>
    %dma_wait3A_176 = arith.constant 2944 : i32
    %dma_wait3A_177 = tpu.memref_slice %arg5[%dma_wait3A_176] : memref<3200xi32, #tpu.memory_space<vmem>> -> memref<128xi32, #tpu.memory_space<vmem>>
    %dma_wait3A_178 = arith.constant 0 : i32
    %dma_wait3A_179 = arith.constant 0 : i32
    %dma_wait3A_180 = tpu.memref_slice %arg2[%dma_wait3A_178, %dma_wait3A_179] : memref<4096x128xf32, #tpu.memory_space<hbm>> -> memref<4096x128xf32, #tpu.memory_space<hbm>>
    %dma_wait3A_181 = tpu.memref_slice %arg7[%dma_wait3A_171] : memref<5x!tpu.dma_semaphore, #tpu.memory_space<semaphore_mem>> -> memref<1x!tpu.dma_semaphore, #tpu.memory_space<semaphore_mem>>
    %dma_wait3A_182 = tpu.memref_squeeze %dma_wait3A_181 : memref<1x!tpu.dma_semaphore, #tpu.memory_space<semaphore_mem>> -> memref<!tpu.dma_semaphore, #tpu.memory_space<semaphore_mem>>
    tpu.wait_indirect_dma semaphore(%dma_wait3A_182 : memref<!tpu.dma_semaphore, #tpu.memory_space<semaphore_mem>>) src(%dma_wait3A_180 : memref<4096x128xf32, #tpu.memory_space<hbm>>) dst(%dma_wait3A_175 : memref<128x128xf32, #tpu.memory_space<vmem>>)
    %add3A_183 = arith.constant 2944 : i32
    %add3A_184 = arith.addi %mul3A_2, %add3A_183 : i32
    %dma_start3A_185 = arith.constant 3 : i32
    %dma_start3A_186 = arith.constant 3 : i32
    %dma_start3A_187 = arith.constant 0 : i32
    %dma_start3A_188 = arith.constant 0 : i32
    %dma_start3A_189 = tpu.memref_slice %arg6[%dma_start3A_185, %dma_start3A_187, %dma_start3A_188] : memref<5x128x128xf32, #tpu.memory_space<vmem>> -> memref<1x128x128xf32, #tpu.memory_space<vmem>>
    %dma_start3A_190 = tpu.memref_squeeze %dma_start3A_189 : memref<1x128x128xf32, #tpu.memory_space<vmem>> -> memref<128x128xf32, #tpu.memory_space<vmem>>
    %dma_start3A_191 = arith.constant 0 : i32
    %dma_start3A_192 = tpu.memref_slice %arg4[%add3A_184, %dma_start3A_191] : memref<102400x128xf32, #tpu.memory_space<hbm>> -> memref<128x128xf32, #tpu.memory_space<hbm>>
    %dma_start3A_193 = tpu.memref_slice %arg8[%dma_start3A_186] : memref<5x!tpu.dma_semaphore, #tpu.memory_space<semaphore_mem>> -> memref<1x!tpu.dma_semaphore, #tpu.memory_space<semaphore_mem>>
    %dma_start3A_194 = tpu.memref_squeeze %dma_start3A_193 : memref<1x!tpu.dma_semaphore, #tpu.memory_space<semaphore_mem>> -> memref<!tpu.dma_semaphore, #tpu.memory_space<semaphore_mem>>
    %dma_start3A_195 = arith.constant 0 : i32
    %dma_start3A_196 = tpu.memref_slice %arg4[%add3A_184, %dma_start3A_195] : memref<102400x128xf32, #tpu.memory_space<hbm>> -> memref<128x128xf32, #tpu.memory_space<hbm>>
    %dma_start3A_197 = arith.constant 0 : i32
    %dma_start3A_198 = arith.constant 0 : i32
    %dma_start3A_199 = tpu.memref_slice %arg6[%dma_start3A_185, %dma_start3A_197, %dma_start3A_198] : memref<5x128x128xf32, #tpu.memory_space<vmem>> -> memref<1x128x128xf32, #tpu.memory_space<vmem>>
    %dma_start3A_200 = tpu.memref_squeeze %dma_start3A_199 : memref<1x128x128xf32, #tpu.memory_space<vmem>> -> memref<128x128xf32, #tpu.memory_space<vmem>>
    tpu.enqueue_dma source(%dma_start3A_200 : memref<128x128xf32, #tpu.memory_space<vmem>>) target(%dma_start3A_196 : memref<128x128xf32, #tpu.memory_space<hbm>>) target_semaphore(%dma_start3A_194 : memref<!tpu.dma_semaphore, #tpu.memory_space<semaphore_mem>>)
    %dma_wait3A_201 = arith.constant 4 : i32
    %dma_wait3A_202 = arith.constant 4 : i32
    %dma_wait3A_203 = arith.constant 0 : i32
    %dma_wait3A_204 = arith.constant 0 : i32
    %dma_wait3A_205 = tpu.memref_slice %arg6[%dma_wait3A_201, %dma_wait3A_203, %dma_wait3A_204] : memref<5x128x128xf32, #tpu.memory_space<vmem>> -> memref<1x128x128xf32, #tpu.memory_space<vmem>>
    %dma_wait3A_206 = tpu.memref_squeeze %dma_wait3A_205 : memref<1x128x128xf32, #tpu.memory_space<vmem>> -> memref<128x128xf32, #tpu.memory_space<vmem>>
    %dma_wait3A_207 = arith.constant 3072 : i32
    %dma_wait3A_208 = tpu.memref_slice %arg5[%dma_wait3A_207] : memref<3200xi32, #tpu.memory_space<vmem>> -> memref<128xi32, #tpu.memory_space<vmem>>
    %dma_wait3A_209 = arith.constant 0 : i32
    %dma_wait3A_210 = arith.constant 0 : i32
    %dma_wait3A_211 = tpu.memref_slice %arg2[%dma_wait3A_209, %dma_wait3A_210] : memref<4096x128xf32, #tpu.memory_space<hbm>> -> memref<4096x128xf32, #tpu.memory_space<hbm>>
    %dma_wait3A_212 = tpu.memref_slice %arg7[%dma_wait3A_202] : memref<5x!tpu.dma_semaphore, #tpu.memory_space<semaphore_mem>> -> memref<1x!tpu.dma_semaphore, #tpu.memory_space<semaphore_mem>>
    %dma_wait3A_213 = tpu.memref_squeeze %dma_wait3A_212 : memref<1x!tpu.dma_semaphore, #tpu.memory_space<semaphore_mem>> -> memref<!tpu.dma_semaphore, #tpu.memory_space<semaphore_mem>>
    tpu.wait_indirect_dma semaphore(%dma_wait3A_213 : memref<!tpu.dma_semaphore, #tpu.memory_space<semaphore_mem>>) src(%dma_wait3A_211 : memref<4096x128xf32, #tpu.memory_space<hbm>>) dst(%dma_wait3A_206 : memref<128x128xf32, #tpu.memory_space<vmem>>)
    %add3A_214 = arith.constant 3072 : i32
    %add3A_215 = arith.addi %mul3A_2, %add3A_214 : i32
    %dma_start3A_216 = arith.constant 4 : i32
    %dma_start3A_217 = arith.constant 4 : i32
    %dma_start3A_218 = arith.constant 0 : i32
    %dma_start3A_219 = arith.constant 0 : i32
    %dma_start3A_220 = tpu.memref_slice %arg6[%dma_start3A_216, %dma_start3A_218, %dma_start3A_219] : memref<5x128x128xf32, #tpu.memory_space<vmem>> -> memref<1x128x128xf32, #tpu.memory_space<vmem>>
    %dma_start3A_221 = tpu.memref_squeeze %dma_start3A_220 : memref<1x128x128xf32, #tpu.memory_space<vmem>> -> memref<128x128xf32, #tpu.memory_space<vmem>>
    %dma_start3A_222 = arith.constant 0 : i32
    %dma_start3A_223 = tpu.memref_slice %arg4[%add3A_215, %dma_start3A_222] : memref<102400x128xf32, #tpu.memory_space<hbm>> -> memref<128x128xf32, #tpu.memory_space<hbm>>
    %dma_start3A_224 = tpu.memref_slice %arg8[%dma_start3A_217] : memref<5x!tpu.dma_semaphore, #tpu.memory_space<semaphore_mem>> -> memref<1x!tpu.dma_semaphore, #tpu.memory_space<semaphore_mem>>
    %dma_start3A_225 = tpu.memref_squeeze %dma_start3A_224 : memref<1x!tpu.dma_semaphore, #tpu.memory_space<semaphore_mem>> -> memref<!tpu.dma_semaphore, #tpu.memory_space<semaphore_mem>>
    %dma_start3A_226 = arith.constant 0 : i32
    %dma_start3A_227 = tpu.memref_slice %arg4[%add3A_215, %dma_start3A_226] : memref<102400x128xf32, #tpu.memory_space<hbm>> -> memref<128x128xf32, #tpu.memory_space<hbm>>
    %dma_start3A_228 = arith.constant 0 : i32
    %dma_start3A_229 = arith.constant 0 : i32
    %dma_start3A_230 = tpu.memref_slice %arg6[%dma_start3A_216, %dma_start3A_228, %dma_start3A_229] : memref<5x128x128xf32, #tpu.memory_space<vmem>> -> memref<1x128x128xf32, #tpu.memory_space<vmem>>
    %dma_start3A_231 = tpu.memref_squeeze %dma_start3A_230 : memref<1x128x128xf32, #tpu.memory_space<vmem>> -> memref<128x128xf32, #tpu.memory_space<vmem>>
    tpu.enqueue_dma source(%dma_start3A_231 : memref<128x128xf32, #tpu.memory_space<vmem>>) target(%dma_start3A_227 : memref<128x128xf32, #tpu.memory_space<hbm>>) target_semaphore(%dma_start3A_225 : memref<!tpu.dma_semaphore, #tpu.memory_space<semaphore_mem>>)
    %add3A_232 = arith.constant 2560 : i32
    %add3A_233 = arith.addi %mul3A_2, %add3A_232 : i32
    %dma_wait3A_234 = arith.constant 0 : i32
    %dma_wait3A_235 = arith.constant 0 : i32
    %dma_wait3A_236 = arith.constant 0 : i32
    %dma_wait3A_237 = arith.constant 0 : i32
    %dma_wait3A_238 = tpu.memref_slice %arg6[%dma_wait3A_234, %dma_wait3A_236, %dma_wait3A_237] : memref<5x128x128xf32, #tpu.memory_space<vmem>> -> memref<1x128x128xf32, #tpu.memory_space<vmem>>
    %dma_wait3A_239 = tpu.memref_squeeze %dma_wait3A_238 : memref<1x128x128xf32, #tpu.memory_space<vmem>> -> memref<128x128xf32, #tpu.memory_space<vmem>>
    %dma_wait3A_240 = arith.constant 0 : i32
    %dma_wait3A_241 = tpu.memref_slice %arg4[%add3A_233, %dma_wait3A_240] : memref<102400x128xf32, #tpu.memory_space<hbm>> -> memref<128x128xf32, #tpu.memory_space<hbm>>
    %dma_wait3A_242 = tpu.memref_slice %arg8[%dma_wait3A_235] : memref<5x!tpu.dma_semaphore, #tpu.memory_space<semaphore_mem>> -> memref<1x!tpu.dma_semaphore, #tpu.memory_space<semaphore_mem>>
    %dma_wait3A_243 = tpu.memref_squeeze %dma_wait3A_242 : memref<1x!tpu.dma_semaphore, #tpu.memory_space<semaphore_mem>> -> memref<!tpu.dma_semaphore, #tpu.memory_space<semaphore_mem>>
    %dma_wait3A_244 = arith.constant 0 : i32
    %dma_wait3A_245 = tpu.memref_slice %arg4[%add3A_233, %dma_wait3A_244] : memref<102400x128xf32, #tpu.memory_space<hbm>> -> memref<128x128xf32, #tpu.memory_space<hbm>>
    %dma_wait3A_246 = arith.constant 0 : i32
    %dma_wait3A_247 = arith.constant 0 : i32
    %dma_wait3A_248 = tpu.memref_slice %arg6[%dma_wait3A_234, %dma_wait3A_246, %dma_wait3A_247] : memref<5x128x128xf32, #tpu.memory_space<vmem>> -> memref<1x128x128xf32, #tpu.memory_space<vmem>>
    %dma_wait3A_249 = tpu.memref_squeeze %dma_wait3A_248 : memref<1x128x128xf32, #tpu.memory_space<vmem>> -> memref<128x128xf32, #tpu.memory_space<vmem>>
    tpu.wait_dma2 semaphore(%dma_wait3A_243 : memref<!tpu.dma_semaphore, #tpu.memory_space<semaphore_mem>>) src(%dma_wait3A_249 : memref<128x128xf32, #tpu.memory_space<vmem>>) dst(%dma_wait3A_245 : memref<128x128xf32, #tpu.memory_space<hbm>>)
    %add3A_250 = arith.constant 2688 : i32
    %add3A_251 = arith.addi %mul3A_2, %add3A_250 : i32
    %dma_wait3A_252 = arith.constant 1 : i32
    %dma_wait3A_253 = arith.constant 1 : i32
    %dma_wait3A_254 = arith.constant 0 : i32
    %dma_wait3A_255 = arith.constant 0 : i32
    %dma_wait3A_256 = tpu.memref_slice %arg6[%dma_wait3A_252, %dma_wait3A_254, %dma_wait3A_255] : memref<5x128x128xf32, #tpu.memory_space<vmem>> -> memref<1x128x128xf32, #tpu.memory_space<vmem>>
    %dma_wait3A_257 = tpu.memref_squeeze %dma_wait3A_256 : memref<1x128x128xf32, #tpu.memory_space<vmem>> -> memref<128x128xf32, #tpu.memory_space<vmem>>
    %dma_wait3A_258 = arith.constant 0 : i32
    %dma_wait3A_259 = tpu.memref_slice %arg4[%add3A_251, %dma_wait3A_258] : memref<102400x128xf32, #tpu.memory_space<hbm>> -> memref<128x128xf32, #tpu.memory_space<hbm>>
    %dma_wait3A_260 = tpu.memref_slice %arg8[%dma_wait3A_253] : memref<5x!tpu.dma_semaphore, #tpu.memory_space<semaphore_mem>> -> memref<1x!tpu.dma_semaphore, #tpu.memory_space<semaphore_mem>>
    %dma_wait3A_261 = tpu.memref_squeeze %dma_wait3A_260 : memref<1x!tpu.dma_semaphore, #tpu.memory_space<semaphore_mem>> -> memref<!tpu.dma_semaphore, #tpu.memory_space<semaphore_mem>>
    %dma_wait3A_262 = arith.constant 0 : i32
    %dma_wait3A_263 = tpu.memref_slice %arg4[%add3A_251, %dma_wait3A_262] : memref<102400x128xf32, #tpu.memory_space<hbm>> -> memref<128x128xf32, #tpu.memory_space<hbm>>
    %dma_wait3A_264 = arith.constant 0 : i32
    %dma_wait3A_265 = arith.constant 0 : i32
    %dma_wait3A_266 = tpu.memref_slice %arg6[%dma_wait3A_252, %dma_wait3A_264, %dma_wait3A_265] : memref<5x128x128xf32, #tpu.memory_space<vmem>> -> memref<1x128x128xf32, #tpu.memory_space<vmem>>
    %dma_wait3A_267 = tpu.memref_squeeze %dma_wait3A_266 : memref<1x128x128xf32, #tpu.memory_space<vmem>> -> memref<128x128xf32, #tpu.memory_space<vmem>>
    tpu.wait_dma2 semaphore(%dma_wait3A_261 : memref<!tpu.dma_semaphore, #tpu.memory_space<semaphore_mem>>) src(%dma_wait3A_267 : memref<128x128xf32, #tpu.memory_space<vmem>>) dst(%dma_wait3A_263 : memref<128x128xf32, #tpu.memory_space<hbm>>)
    %add3A_268 = arith.constant 2816 : i32
    %add3A_269 = arith.addi %mul3A_2, %add3A_268 : i32
    %dma_wait3A_270 = arith.constant 2 : i32
    %dma_wait3A_271 = arith.constant 2 : i32
    %dma_wait3A_272 = arith.constant 0 : i32
    %dma_wait3A_273 = arith.constant 0 : i32
    %dma_wait3A_274 = tpu.memref_slice %arg6[%dma_wait3A_270, %dma_wait3A_272, %dma_wait3A_273] : memref<5x128x128xf32, #tpu.memory_space<vmem>> -> memref<1x128x128xf32, #tpu.memory_space<vmem>>
    %dma_wait3A_275 = tpu.memref_squeeze %dma_wait3A_274 : memref<1x128x128xf32, #tpu.memory_space<vmem>> -> memref<128x128xf32, #tpu.memory_space<vmem>>
    %dma_wait3A_276 = arith.constant 0 : i32
    %dma_wait3A_277 = tpu.memref_slice %arg4[%add3A_269, %dma_wait3A_276] : memref<102400x128xf32, #tpu.memory_space<hbm>> -> memref<128x128xf32, #tpu.memory_space<hbm>>
    %dma_wait3A_278 = tpu.memref_slice %arg8[%dma_wait3A_271] : memref<5x!tpu.dma_semaphore, #tpu.memory_space<semaphore_mem>> -> memref<1x!tpu.dma_semaphore, #tpu.memory_space<semaphore_mem>>
    %dma_wait3A_279 = tpu.memref_squeeze %dma_wait3A_278 : memref<1x!tpu.dma_semaphore, #tpu.memory_space<semaphore_mem>> -> memref<!tpu.dma_semaphore, #tpu.memory_space<semaphore_mem>>
    %dma_wait3A_280 = arith.constant 0 : i32
    %dma_wait3A_281 = tpu.memref_slice %arg4[%add3A_269, %dma_wait3A_280] : memref<102400x128xf32, #tpu.memory_space<hbm>> -> memref<128x128xf32, #tpu.memory_space<hbm>>
    %dma_wait3A_282 = arith.constant 0 : i32
    %dma_wait3A_283 = arith.constant 0 : i32
    %dma_wait3A_284 = tpu.memref_slice %arg6[%dma_wait3A_270, %dma_wait3A_282, %dma_wait3A_283] : memref<5x128x128xf32, #tpu.memory_space<vmem>> -> memref<1x128x128xf32, #tpu.memory_space<vmem>>
    %dma_wait3A_285 = tpu.memref_squeeze %dma_wait3A_284 : memref<1x128x128xf32, #tpu.memory_space<vmem>> -> memref<128x128xf32, #tpu.memory_space<vmem>>
    tpu.wait_dma2 semaphore(%dma_wait3A_279 : memref<!tpu.dma_semaphore, #tpu.memory_space<semaphore_mem>>) src(%dma_wait3A_285 : memref<128x128xf32, #tpu.memory_space<vmem>>) dst(%dma_wait3A_281 : memref<128x128xf32, #tpu.memory_space<hbm>>)
    %add3A_286 = arith.constant 2944 : i32
    %add3A_287 = arith.addi %mul3A_2, %add3A_286 : i32
    %dma_wait3A_288 = arith.constant 3 : i32
    %dma_wait3A_289 = arith.constant 3 : i32
    %dma_wait3A_290 = arith.constant 0 : i32
    %dma_wait3A_291 = arith.constant 0 : i32
    %dma_wait3A_292 = tpu.memref_slice %arg6[%dma_wait3A_288, %dma_wait3A_290, %dma_wait3A_291] : memref<5x128x128xf32, #tpu.memory_space<vmem>> -> memref<1x128x128xf32, #tpu.memory_space<vmem>>
    %dma_wait3A_293 = tpu.memref_squeeze %dma_wait3A_292 : memref<1x128x128xf32, #tpu.memory_space<vmem>> -> memref<128x128xf32, #tpu.memory_space<vmem>>
    %dma_wait3A_294 = arith.constant 0 : i32
    %dma_wait3A_295 = tpu.memref_slice %arg4[%add3A_287, %dma_wait3A_294] : memref<102400x128xf32, #tpu.memory_space<hbm>> -> memref<128x128xf32, #tpu.memory_space<hbm>>
    %dma_wait3A_296 = tpu.memref_slice %arg8[%dma_wait3A_289] : memref<5x!tpu.dma_semaphore, #tpu.memory_space<semaphore_mem>> -> memref<1x!tpu.dma_semaphore, #tpu.memory_space<semaphore_mem>>
    %dma_wait3A_297 = tpu.memref_squeeze %dma_wait3A_296 : memref<1x!tpu.dma_semaphore, #tpu.memory_space<semaphore_mem>> -> memref<!tpu.dma_semaphore, #tpu.memory_space<semaphore_mem>>
    %dma_wait3A_298 = arith.constant 0 : i32
    %dma_wait3A_299 = tpu.memref_slice %arg4[%add3A_287, %dma_wait3A_298] : memref<102400x128xf32, #tpu.memory_space<hbm>> -> memref<128x128xf32, #tpu.memory_space<hbm>>
    %dma_wait3A_300 = arith.constant 0 : i32
    %dma_wait3A_301 = arith.constant 0 : i32
    %dma_wait3A_302 = tpu.memref_slice %arg6[%dma_wait3A_288, %dma_wait3A_300, %dma_wait3A_301] : memref<5x128x128xf32, #tpu.memory_space<vmem>> -> memref<1x128x128xf32, #tpu.memory_space<vmem>>
    %dma_wait3A_303 = tpu.memref_squeeze %dma_wait3A_302 : memref<1x128x128xf32, #tpu.memory_space<vmem>> -> memref<128x128xf32, #tpu.memory_space<vmem>>
    tpu.wait_dma2 semaphore(%dma_wait3A_297 : memref<!tpu.dma_semaphore, #tpu.memory_space<semaphore_mem>>) src(%dma_wait3A_303 : memref<128x128xf32, #tpu.memory_space<vmem>>) dst(%dma_wait3A_299 : memref<128x128xf32, #tpu.memory_space<hbm>>)
    %add3A_304 = arith.constant 3072 : i32
    %add3A_305 = arith.addi %mul3A_2, %add3A_304 : i32
    %dma_wait3A_306 = arith.constant 4 : i32
    %dma_wait3A_307 = arith.constant 4 : i32
    %dma_wait3A_308 = arith.constant 0 : i32
    %dma_wait3A_309 = arith.constant 0 : i32
    %dma_wait3A_310 = tpu.memref_slice %arg6[%dma_wait3A_306, %dma_wait3A_308, %dma_wait3A_309] : memref<5x128x128xf32, #tpu.memory_space<vmem>> -> memref<1x128x128xf32, #tpu.memory_space<vmem>>
    %dma_wait3A_311 = tpu.memref_squeeze %dma_wait3A_310 : memref<1x128x128xf32, #tpu.memory_space<vmem>> -> memref<128x128xf32, #tpu.memory_space<vmem>>
    %dma_wait3A_312 = arith.constant 0 : i32
    %dma_wait3A_313 = tpu.memref_slice %arg4[%add3A_305, %dma_wait3A_312] : memref<102400x128xf32, #tpu.memory_space<hbm>> -> memref<128x128xf32, #tpu.memory_space<hbm>>
    %dma_wait3A_314 = tpu.memref_slice %arg8[%dma_wait3A_307] : memref<5x!tpu.dma_semaphore, #tpu.memory_space<semaphore_mem>> -> memref<1x!tpu.dma_semaphore, #tpu.memory_space<semaphore_mem>>
    %dma_wait3A_315 = tpu.memref_squeeze %dma_wait3A_314 : memref<1x!tpu.dma_semaphore, #tpu.memory_space<semaphore_mem>> -> memref<!tpu.dma_semaphore, #tpu.memory_space<semaphore_mem>>
    %dma_wait3A_316 = arith.constant 0 : i32
    %dma_wait3A_317 = tpu.memref_slice %arg4[%add3A_305, %dma_wait3A_316] : memref<102400x128xf32, #tpu.memory_space<hbm>> -> memref<128x128xf32, #tpu.memory_space<hbm>>
    %dma_wait3A_318 = arith.constant 0 : i32
    %dma_wait3A_319 = arith.constant 0 : i32
    %dma_wait3A_320 = tpu.memref_slice %arg6[%dma_wait3A_306, %dma_wait3A_318, %dma_wait3A_319] : memref<5x128x128xf32, #tpu.memory_space<vmem>> -> memref<1x128x128xf32, #tpu.memory_space<vmem>>
    %dma_wait3A_321 = tpu.memref_squeeze %dma_wait3A_320 : memref<1x128x128xf32, #tpu.memory_space<vmem>> -> memref<128x128xf32, #tpu.memory_space<vmem>>
    tpu.wait_dma2 semaphore(%dma_wait3A_315 : memref<!tpu.dma_semaphore, #tpu.memory_space<semaphore_mem>>) src(%dma_wait3A_321 : memref<128x128xf32, #tpu.memory_space<vmem>>) dst(%dma_wait3A_317 : memref<128x128xf32, #tpu.memory_space<hbm>>)
    return
  }
}

</mosaic_0001>

<sc_bundles>
// kernel: _sc_gather.3.cloned.1.call-start
scs
__scs_entry_jumppad:
0x0: {  	(pc) =	sbr.rel $0x88, $3  }
0x1: {  	(tag) =	ssettag $0x0;
	lr =	simm.s32 $0x1  }
0x2: {  	[smem:$0x3F9F] =	sst lr;
	_ =	strace $0xD0000000  }
0x3: {  	_ = 	snop  }
0x4: {  	_ = 	snop  }
0x5: {  	_ = 	snop  }
0x6: {  	_ = 	snop  }
0x7: {  	_ = 	snop  }
__scs_overlays_trampoline_lowered:
0x8: {  	[smem:$0x3FAE] =	sst s0  }
0x9: {  	[smem:$0x3FAF] =	sst s1  }
0xa: {  	[smem:$0x3FB0] =	sst s2  }
0xb: {  	[smem:$0x3FB1] =	sst s3  }
0xc: {  	[smem:$0x3FB2] =	sst s4  }
0xd: {  	[smem:$0x3FB3] =	sst s5  }
0xe: {  	[smem:$0x3FB4] =	sst s6  }
0xf: {  	[smem:$0x3FB5] =	sst s7  }
0x10: {  	[smem:$0x3FB6] =	sst s8  }
0x11: {  	[smem:$0x3FB7] =	sst s9;
	s0 =	simm.s32 @!p0 $0x0  }
0x12: {  	s1 =	sld [smem:$0x3F9D];
	s0 =	simm.s32 @p0 $0x1  }
0x13: {  	[smem:$0x3FB8] =	sst s0;
	s0 =	simm.s32 @!p1 $0x0  }
0x14: {  	s2 =	sld [smem:$0x3F9C];
	s0 =	simm.s32 @p1 $0x1  }
0x15: {  	[smem:$0x3FB9] =	sst s0;
	s0 =	simm.s32 @!p2 $0x0  }
0x16: {  	s3 =	sld [smem:$0x3FDB];
	s0 =	simm.s32 @p2 $0x1  }
0x17: {  	s4 =	simm.s32 $0x1BF5;
	[smem:$0x3FBB] =	sst s0  }
0x18: {  	s0 =	sld [smem:$0x3F9E];
	_ =	swait.ge [sflag:s4], $0x0  }
0x19: {  	s7 =	sld [smem:$0x3F9F]  }
0x1a: {  	s8 =	sadd.s32 $0xFFFFE003, lr  }
0x1b: {  	s9 =	sadd.s32 $0xFFFFFEF7, lr;
	s5 =	simm.s32 $0xFFFFFFFF;
	p2 =	slt.u32 s8, $0xFFFFF086  }
0x1c: {  	p1 =	slt.u32 s9, $0xF7A;
	s5 =	simm.s32 @!p2 $0x0  }
0x1d: {  	s5 =	simm.s32 @p1 $0x1;
	p0 =	seq.s32 s7, s2  }
0x1e: {  	s7 =	smul.u32 @!p0 $0xF7A, s2;
	p2 =	seq.s32 @!p0 s5, $0x0  }
0x1f: {  	s9 =	smul.u32 $0xF7A, s1;
	s8 =	simm.s32 @!p0 $0x1BF5;
	p2 =	por !p2, p0  }
0x20: {  	[sflag:s8] =	ssyncset.s32 @!p0 $0xFFFFF086;
	s6 =	sadd.s32 @!p0 s3, s7;
	s7 =	simm.s32 @!p0 $0x108  }
0x21: {  	s3 =	sadd.s32 s3, s9;
	s6 =	sadd.s32 @!p0 $0x88, s6;
	s7 =	simm.s32 @p2 $0x1082  }
0x22: {  	[simem:s7], [sflag:s8] =	dma.local @!p0 [hbm:s6], $0xF7A  }
0x23: {  	s9 =	sor.u32 $0xD0000000, s2;
	s6 =	simm.s32 $0x108;
	_ =	swait.ge @!p0 [sflag:s8], $0x0  }
0x24: {  	s3 =	sadd.s32 $0x88, s3;
	s6 =	simm.s32 @!p1 $0x1082;
	[sflag:s4] =	ssyncset.s32 $0xFFFFF086  }
0x25: {  	[simem:s6], [sflag:s4] =	dma.local [hbm:s3], $0xF7A  }
0x26: {  	[smem:$0x3F9F] =	sst s1;
	(tag) =	ssettag s2;
	_ =	strace s9  }
0x27: {  	s1 =	sld [smem:$0x3FAF]  }
0x28: {  	s2 =	sld [smem:$0x3FB0]  }
0x29: {  	s4 =	sld [smem:$0x3FB2]  }
0x2a: {  	p0 =	seq.s32 s5, $0x0;
	s5 =	sld [smem:$0x3FB3]  }
0x2b: {  	s6 =	sld [smem:$0x3FB4]  }
0x2c: {  	s7 =	sld [smem:$0x3FB5]  }
0x2d: {  	s3 =	simm.s32 $0x108;
	s8 =	sld [smem:$0x3FB6]  }
0x2e: {  	s3 =	simm.s32 @!p0 $0x1082;
	s9 =	sld [smem:$0x3FB7]  }
0x2f: {  	lr =	sadd.s32 s0, s3;
	s0 =	sld [smem:$0x3FAE]  }
0x30: {  	s3 =	sld [smem:$0x3FB1]  }
0x31: {  	[smem:$0x3FBA] =	sst s10  }
0x32: {  	s10 =	sld [smem:$0x3FB8];
	_ =	sdelay $0x3  }
0x33: {  	p0 =	seq.s32 s10, $0x1;
	s10 =	sld [smem:$0x3FBA];
	_ =	sdelay $0x3  }
0x34: {  	[smem:$0x3FBA] =	sst s10  }
0x35: {  	s10 =	sld [smem:$0x3FB9];
	_ =	sdelay $0x3  }
0x36: {  	p1 =	seq.s32 s10, $0x1;
	s10 =	sld [smem:$0x3FBA];
	_ =	sdelay $0x3  }
0x37: {  	[smem:$0x3FBA] =	sst s10  }
0x38: {  	s10 =	sld [smem:$0x3FBB]  }
0x39: {  	_ = 	snop;
	(pc) =	sbr.ind lr, $3  }
0x3a: {  	_ = 	snop  }
0x3b: {  	_ = 	snop  }
0x3c: {  	p2 =	seq.s32 s10, $0x1;
	s10 =	sld [smem:$0x3FBA]  }
0x3d: {  	_ =	shalt  }
0x3e: {  	_ =	shalt  }
0x3f: {  	_ =	shalt  }
0x40: {  	_ =	shalt  }
0x41: {  	_ =	shalt  }
0x42: {  	_ =	shalt  }
0x43: {  	_ =	shalt  }
0x44: {  	_ =	shalt  }
0x45: {  	_ =	shalt  }
0x46: {  	_ =	shalt  }
0x47: {  	_ =	shalt  }
0x48: {  	_ =	shalt  }
0x49: {  	_ =	shalt  }
0x4a: {  	_ =	shalt  }
0x4b: {  	_ =	shalt  }
0x4c: {  	_ =	shalt  }
0x4d: {  	_ =	shalt  }
0x4e: {  	_ =	shalt  }
0x4f: {  	_ =	shalt  }
0x50: {  	_ =	shalt  }
0x51: {  	_ =	shalt  }
0x52: {  	_ =	shalt  }
0x53: {  	_ =	shalt  }
0x54: {  	_ =	shalt  }
0x55: {  	_ =	shalt  }
0x56: {  	_ =	shalt  }
0x57: {  	_ =	shalt  }
0x58: {  	_ =	shalt  }
0x59: {  	_ =	shalt  }
0x5a: {  	_ =	shalt  }
0x5b: {  	_ =	shalt  }
0x5c: {  	_ =	shalt  }
0x5d: {  	_ =	shalt  }
0x5e: {  	_ =	shalt  }
0x5f: {  	_ =	shalt  }
0x60: {  	_ =	shalt  }
0x61: {  	_ =	shalt  }
0x62: {  	_ =	shalt  }
0x63: {  	_ =	shalt  }
0x64: {  	_ =	shalt  }
0x65: {  	_ =	shalt  }
0x66: {  	_ =	shalt  }
0x67: {  	_ =	shalt  }
0x68: {  	_ =	shalt  }
0x69: {  	_ =	shalt  }
0x6a: {  	_ =	shalt  }
0x6b: {  	_ =	shalt  }
0x6c: {  	_ =	shalt  }
0x6d: {  	_ =	shalt  }
0x6e: {  	_ =	shalt  }
0x6f: {  	_ =	shalt  }
0x70: {  	_ =	shalt  }
0x71: {  	_ =	shalt  }
0x72: {  	_ =	shalt  }
0x73: {  	_ =	shalt  }
0x74: {  	_ =	shalt  }
0x75: {  	_ =	shalt  }
0x76: {  	_ =	shalt  }
0x77: {  	_ =	shalt  }
0x78: {  	_ =	shalt  }
0x79: {  	_ =	shalt  }
0x7a: {  	_ =	shalt  }
0x7b: {  	_ =	shalt  }
0x7c: {  	_ =	shalt  }
0x7d: {  	_ =	shalt  }
0x7e: {  	_ =	shalt  }
0x7f: {  	_ =	shalt  }
0x80: {  	_ =	shalt  }
0x81: {  	_ =	shalt  }
0x82: {  	_ =	shalt  }
0x83: {  	_ =	shalt  }
0x84: {  	_ =	shalt  }
0x85: {  	_ =	shalt  }
0x86: {  	_ =	shalt  }
0x87: {  	_ =	shalt  }
.Lfunc_end0:
.L_simem_size_0:
called_computation_lowered:
.L_overlay_start_0:
0x88: {  	s2 =	sld [smem:$0x3FD9]  }
0x89: {  	s3 =	sld [smem:$0x3FFE];
	_ =	sdelay $0x1  }
0x8a: {  	s1 =	srdreg.scid  }
0x8b: {  	s0 =	sand.u32 $0x1, s1  }
0x8c: {  	s18 =	sshll.u32 s0, $0xA;
	s2 =	sadd.s32 s3, s2  }
0x8d: {  	s2 =	sadd.s32 s2, s18  }
0x8e: {  	[smem:$0x3FC6] =	sst s2  }
0x8f: {  	_ = 	snop  }
0x90: {  	s2 =	sld [smem:$0x3FC9]  }
0x91: {  	s19 =	sld [smem:$0x3FC8]  }
0x92: {  	s4 =	sld [smem:$0x3FD0];
	(tm) =	ssettm $0x1  }
0x93: {  	s5 =	sld [smem:$0x3FFB];
	_ =	sdelay $0x3  }
0x94: {  	_ =	strace s5  }
0x95: {  	s5 =	sld [smem:$0x3FFC];
	_ =	sdelay $0x3  }
0x96: {  	_ =	strace s5  }
0x97: {  	s5 =	sld [smem:$0x3FFD];
	_ =	sdelay $0x3  }
0x98: {  	_ =	strace s5  }
0x99: {  	_ =	strace $0x8FFFFFFF  }
0x9a: {  	s20 =	sld [smem:$0x3FDB];
	_ =	sdelay $0x1  }
0x9b: {  	s6 =	simm.s32 $_scs_section_size  }
0x9c: {  	s7 =	simm.s32 $_size__tile_overlayer_lowered;
	s8 =	simm.s32 $_tile_overlayer_lowered  }
0x9d: {  	s23 =	simm.s32 $0x1BFF;
	s22 =	sshll.u32 s8, $0x1;
	s5 =	sadd.s32 s6, s20  }
0x9e: {  	s9 =	simm.s32 $0x0;
	s21 =	sshll.u32 s7, $0x1;
	s7 =	sadd.s32 s22, s5  }
0x9f: {  	[timem:s9], [sflag:s23] =	dma.local [hbm:s7], s21  }
0xa0: {  	_ =	swait.ge [sflag:s23], s21  }
0xa1: {  	s6 =	ssub.s32 $0x0, s21;
	[sflag:s23] =	ssyncset.done $0x0  }
0xa2: {  	[sflag:s23] =	ssyncadd.s32 s6;
	_ =	sdelay $0x1  }
0xa3: {  	s24 =	simm.s32 $0x1B8B  }
0xa4: {  	_ =	swait.ge [sflag:s24], $0x1  }
0xa5: {  	[sflag:s24] =	ssyncset.done $0x0  }
0xa6: {  	s25 =	simm.s32 $0x1B8E;
	[sflag:s24] =	ssyncadd.s32 $0xFFFFFFFF  }
0xa7: {  	s26 =	simm.s32 $execute0_lowered;
	[smem:$0x3FD2] =	sst s25  }
0xa8: {  	s6 =	sshll.u32 s26, $0x1;
	_ =	strace $0x80000046;
	[dreg:$0x1] =	wrdreg $0xFFFFFFFF  }
0xa9: {  	s28 =	simm.s32 $_size_execute0_lowered;
	s5 =	sadd.s32 s5, s6;
	[dreg:$0x0] =	wrdreg $0x0  }
0xaa: {  	s6 =	sshll.u32 s28, $0x1;
	[dreg:$0x2] =	wrdreg s5  }
0xab: {  	[dreg:$0x3] =	wrdreg s6  }
0xac: {  	[dreg:$0x4] =	wrdreg $0xC0  }
0xad: {  	_ =	task [dreg:s9], $0x5FFFF  }
0xae: {  	[dreg:$0x1] =	wrdreg $0xFFFFFFFF  }
0xaf: {  	[dreg:$0x0] =	wrdreg $0x60  }
0xb0: {  	[dreg:$0x2] =	wrdreg s2  }
0xb1: {  	[dreg:$0x3] =	wrdreg s19  }
0xb2: {  	[dreg:$0x4] =	wrdreg s4  }
0xb3: {  	[dreg:$0x5] =	wrdreg $0x9  }
0xb4: {  	_ =	task.clear_ibuf [dreg:s9], $0x6FFFF;
	_ =	strace $0x90000046  }
0xb5: {  	s29 =	simm.s32 $0x9;
	_ =	strace $0x80000048  }
0xb6: {  	_ =	swait.ge [sflag:s29], $0x1  }
0xb7: {  	[sflag:s29] =	ssyncadd.s32 $0xFFFFFFFF  }
0xb8: {  	_ =	strace $0x90000048  }
0xb9: {  	_ =	sfence  }
0xba: {  	s30 =	sld [smem:$0x0];
	_ =	sdelay $0x2  }
0xbb: {  	s31 =	sshll.u32 s1, $0xD;
	s1 =	sshrl.u32 s1, $0x2  }
0xbc: {  	s3 =	sand.u32 $0x4000, s31;
	s1 =	sadd.s32 s1, s30  }
0xbd: {  	s0 =	sor.u32 s3, s0;
	s1 =	sshll.u32 s1, $0x11  }
0xbe: {  	s0 =	sor.u32 s1, s0  }
0xbf: {  	s0 =	sadd.s32 $0x8F2B, s0  }
0xc0: {  	[sflag:s0] =	ssyncadd.remote.s32 $0x1  }
0xc1: {  	_ =	sfence.sel $0xFFFF  }
0xc2: {  	[dreg:$0x0] =	wrdreg $0xFFFFFFFF;
	(pc) =	sbr.abs _section_cstart, $3  }
0xc3: {  	[dreg:$0x1] =	wrdreg $0xFFFFFFFF  }
0xc4: {  	_ =	task.clear_ibuf [dreg:s9], $0x2FFFF;
	_ =	strace $0x9FFFFFFF  }
0xc5: {  	(tm) =	ssettm $0x7FFFFFFF  }
tec
execute0_lowered:
.L_overlay_start_1:
0x0: {  	(tag) =	ssettag $0x1  }
0x1: {  	s1 =	rddreg [dreg:$0x0]  }
0x2: {  	s0 =	rddreg [dreg:$0x1];
	s2 =	srdreg.scid  }
0x3: {  	s9 =	stileid.u32;
	s7 =	rddreg [dreg:$0x2]  }
0x4: {  	s12 =	simm.s32 $0xB;
	s13 =	simm.s32 $0x80;
	s14 =	simm.s32 $0xC80  }
0x5: {  	s15 =	simm.s32 $0x4C80;
	s17 =	simm.s32 $0x8C80;
	s19 =	simm.s32 $0xCC80  }
0x6: {  	s21 =	simm.s32 $0x10C80;
	s22 =	simm.s32 $0x1;
	s28 =	simm.s32 $0x6  }
0x7: {  	s29 =	simm.s32 $0x7;
	s2 =	sand.u32 $0x1, s2;
	s3 =	sshll.u32 s9, $0x1  }
0x8: {  	s30 =	simm.s32 $0x8;
	s25 =	smul.u32 $0x19000, s9;
	s4 =	sor.u32 s2, s3  }
0x9: {  	s3 =	simm.s32 $0x0;
	s5 =	ssub.s32 $0x2, s2;
	s2 =	smul.u32 $0xC800, s2  }
0xa: {  	s31 =	simm.s32 $0x9;
	s6 =	smul.u32 $0xC80, s4;
	[smem:$0x7FF] =	sst s3  }
0xb: {  	s8 =	sshrl.u32 s5, $0x1;
	s4 =	smul.u32 $0x64000, s4;
	s9 =	sadd.s32 s25, s7  }
0xc: {  	s25 =	simm.s32 $0x4;
	_ =	strace $0x80000047;
	s10 =	ssub.s32 s5, s8  }
0xd: {  	s2 =	sadd.s32 s2, s9;
	s23 =	sshrl.u32 s6, $0x3;
	s24 =	sshrl.u32 s4, $0x3  }
0xe: {  	s10 =	smax.u32 s10, $0x1;
	s11 =	sadd.s32 $0x2000, s2;
	s2 =	simm.s32 $0xA  }
0xf: {  	s0 =	sadd.s32 s0, s23;
	s26 =	sadd.s32 s7, s24;
	s23 =	simm.s32 $0x2  }
0x10: {  	s24 =	simm.s32 $0x3;
	[dreg:$0x4] =	wrdreg s0;
	s5 =	sadd.s32 $0xA000, s26  }
0x11: {  	s6 =	sadd.s32 $0xA800, s26;
	s7 =	sadd.s32 $0xB000, s26;
	s8 =	sadd.s32 $0xB800, s26  }
0x12: {  	s9 =	sadd.s32 $0xC000, s26;
	s26 =	simm.s32 $0x5;
	s0 =	simm.s32 $0x0  }
.LBB2_1:
0x13: {  	s4 =	rddreg [dreg:$0x4]  }
0x14: {  	[tilespmem:s3], [sflag:$0xB] =	stream.linear.gather [hbm4b:s4+s3], $0xC80, $0x38;
	[tilespmem:$0x14C80] =	vst v63  }
0x15: {  	_ =	swait.ge [sflag:s12], $0xC80  }
0x16: {  	[sflag:s12] =	ssyncset.done $0x0  }
0x17: {  	s16 =	simm.s32 $0x0;
	s18 =	simm.s32 $0x40;
	[sflag:s12] =	ssyncadd.s32 $0xFFFFF380  }
.LBB2_2:
0x18: {  	p0 =	sne.s32 s18, $0x31C0;
	v0 =	vld [tilespmem:s16+$0x0];
	_ =	sdelay $0x3  }
.Ltmp0:
0x19: {  	(pc) =	sbr.rel @p0 .LBB2_2-.Ltmp0, $4  }
0x1a: {  	v1 =	vshll.u32 v0, $0x6  }
0x1b: {  	v0 =	vshra.s32 v0, $0x10;
	v1 =	vand.u32 $0x3FFFC0, v1  }
0x1c: {  	v0 =	vadd.s32 v0, v1  }
0x1d: {  	[tilespmem:s16+$0x0] =	vst v0;
	s16 =	sshra.s32 s18, $0x2;
	s18 =	sadd.s32 $0x40, s18  }
0x1e: {  	v0 =	vld [tilespmem:s16+$0x0];
	_ =	sdelay $0x4  }
0x1f: {  	v1 =	vshll.u32 v0, $0x6  }
0x20: {  	v0 =	vshra.s32 v0, $0x10;
	v1 =	vand.u32 $0x3FFFC0, v1  }
0x21: {  	v0 =	vadd.s32 v0, v1  }
0x22: {  	s18 =	simm.s32 $0x0;
	[tilespmem:s16+$0x0] =	vst v0  }
0x23: {  	[tilespmem:s14], [sflag:$0x1] =	stream.indirect.gather [hbm4b:s1+s13], $0x80, s18, s13, $0xb8;
	[tilespmem:$0x14C80] =	vst v63  }
0x24: {  	_ = 	snop  }
0x25: {  	[tilespmem:s15], [sflag:$0x2] =	stream.indirect.gather [hbm4b:s1+s13], $0x80, s13, s13, $0xb8;
	[tilespmem:$0x14C80] =	vst v63  }
0x26: {  	s4 =	simm.s32 $0x100  }
0x27: {  	[tilespmem:s17], [sflag:$0x3] =	stream.indirect.gather [hbm4b:s1+s13], $0x80, s4, s13, $0xb8;
	[tilespmem:$0x14C80] =	vst v63  }
0x28: {  	s20 =	simm.s32 $0x180  }
0x29: {  	[tilespmem:s19], [sflag:$0x4] =	stream.indirect.gather [hbm4b:s1+s13], $0x80, s20, s13, $0xb8;
	[tilespmem:$0x14C80] =	vst v63  }
0x2a: {  	s16 =	simm.s32 $0x200  }
0x2b: {  	[tilespmem:s21], [sflag:$0x5] =	stream.indirect.gather [hbm4b:s1+s13], $0x80, s16, s13, $0xb8;
	[tilespmem:$0x14C80] =	vst v63  }
0x2c: {  	_ =	swait.ge [sflag:s22], $0x4000  }
0x2d: {  	[sflag:s22] =	ssyncset.done $0x0  }
0x2e: {  	s18 =	sadd.s32 $0xFFFFE000, s11;
	[sflag:s22] =	ssyncadd.s32 $0xFFFFC000  }
0x2f: {  	[hbm4b:s18+s3] =	stream.linear.scatter [tilespmem:s14], [sflag:$0x6], $0x4000, $0x38;
	[tilespmem:$0x14C80] =	vst v63  }
0x30: {  	_ =	swait.ge [sflag:s23], $0x4000  }
0x31: {  	[sflag:s23] =	ssyncset.done $0x0  }
0x32: {  	s20 =	sadd.s32 $0xFFFFE800, s11;
	[sflag:s23] =	ssyncadd.s32 $0xFFFFC000  }
0x33: {  	[hbm4b:s20+s3] =	stream.linear.scatter [tilespmem:s15], [sflag:$0x7], $0x4000, $0x38;
	[tilespmem:$0x14C80] =	vst v63  }
0x34: {  	_ =	swait.ge [sflag:s24], $0x4000  }
0x35: {  	[sflag:s24] =	ssyncset.done $0x0  }
0x36: {  	s4 =	sadd.s32 $0xFFFFF000, s11;
	[sflag:s24] =	ssyncadd.s32 $0xFFFFC000  }
0x37: {  	[hbm4b:s4+s3] =	stream.linear.scatter [tilespmem:s17], [sflag:$0x8], $0x4000, $0x38;
	[tilespmem:$0x14C80] =	vst v63  }
0x38: {  	_ =	swait.ge [sflag:s25], $0x4000  }
0x39: {  	[sflag:s25] =	ssyncset.done $0x0  }
0x3a: {  	s18 =	sadd.s32 $0xFFFFF800, s11;
	[sflag:s25] =	ssyncadd.s32 $0xFFFFC000  }
0x3b: {  	[hbm4b:s18+s3] =	stream.linear.scatter [tilespmem:s19], [sflag:$0x9], $0x4000, $0x38;
	[tilespmem:$0x14C80] =	vst v63  }
0x3c: {  	_ =	swait.ge [sflag:s26], $0x4000  }
0x3d: {  	[sflag:s26] =	ssyncset.done $0x0  }
0x3e: {  	[sflag:s26] =	ssyncadd.s32 $0xFFFFC000  }
0x3f: {  	[hbm4b:s11+s3] =	stream.linear.scatter [tilespmem:s21], [sflag:$0xA], $0x4000, $0x38;
	[tilespmem:$0x14C80] =	vst v63  }
0x40: {  	_ =	swait.ge [sflag:s28], $0x4000  }
0x41: {  	[sflag:s28] =	ssyncset.done $0x0  }
0x42: {  	s20 =	simm.s32 $0x280;
	[sflag:s28] =	ssyncadd.s32 $0xFFFFC000  }
0x43: {  	[tilespmem:s14], [sflag:$0x1] =	stream.indirect.gather [hbm4b:s1+s13], $0x80, s20, s13, $0xb8;
	[tilespmem:$0x14C80] =	vst v63  }
0x44: {  	_ =	swait.ge [sflag:s29], $0x4000  }
0x45: {  	[sflag:s29] =	ssyncset.done $0x0  }
0x46: {  	s4 =	simm.s32 $0x300;
	[sflag:s29] =	ssyncadd.s32 $0xFFFFC000  }
0x47: {  	[tilespmem:s15], [sflag:$0x2] =	stream.indirect.gather [hbm4b:s1+s13], $0x80, s4, s13, $0xb8;
	[tilespmem:$0x14C80] =	vst v63  }
0x48: {  	_ =	swait.ge [sflag:s30], $0x4000  }
0x49: {  	[sflag:s30] =	ssyncset.done $0x0  }
0x4a: {  	s18 =	simm.s32 $0x380;
	[sflag:s30] =	ssyncadd.s32 $0xFFFFC000  }
0x4b: {  	[tilespmem:s17], [sflag:$0x3] =	stream.indirect.gather [hbm4b:s1+s13], $0x80, s18, s13, $0xb8;
	[tilespmem:$0x14C80] =	vst v63  }
0x4c: {  	_ =	swait.ge [sflag:s31], $0x4000  }
0x4d: {  	[sflag:s31] =	ssyncset.done $0x0  }
0x4e: {  	s20 =	simm.s32 $0x400;
	[sflag:s31] =	ssyncadd.s32 $0xFFFFC000  }
0x4f: {  	[tilespmem:s19], [sflag:$0x4] =	stream.indirect.gather [hbm4b:s1+s13], $0x80, s20, s13, $0xb8;
	[tilespmem:$0x14C80] =	vst v63  }
0x50: {  	_ =	swait.ge [sflag:s2], $0x4000  }
0x51: {  	s16 =	simm.s32 $0xA00;
	[sflag:s2] =	ssyncset.done $0x0  }
0x52: {  	s18 =	sadd.s32 $0x2800, s11;
	s20 =	simm.s32 $0x480;
	[sflag:s2] =	ssyncadd.s32 $0xFFFFC000  }
.LBB2_4:
0x53: {  	[tilespmem:s21], [sflag:$0x5] =	stream.indirect.gather [hbm4b:s1+s13], $0x80, s20, s13, $0xb8;
	[tilespmem:$0x14C80] =	vst v63  }
0x54: {  	s20 =	smov.u32 s16  }
0x55: {  	p0 =	sne.s32 s16, $0x1E00;
	s16 =	sadd.s32 $0xA00, s16;
	_ =	swait.ge [sflag:s22], $0x4000  }
0x56: {  	[sflag:s22] =	ssyncset.done $0x0  }
0x57: {  	s4 =	sadd.s32 $0xFFFFE000, s18;
	[sflag:s22] =	ssyncadd.s32 $0xFFFFC000  }
0x58: {  	[hbm4b:s4+s3] =	stream.linear.scatter [tilespmem:s14], [sflag:$0x6], $0x4000, $0x38;
	[tilespmem:$0x14C80] =	vst v63  }
0x59: {  	_ =	swait.ge [sflag:s23], $0x4000  }
0x5a: {  	[sflag:s23] =	ssyncset.done $0x0  }
0x5b: {  	s4 =	sadd.s32 $0xFFFFE800, s18;
	[sflag:s23] =	ssyncadd.s32 $0xFFFFC000  }
0x5c: {  	[hbm4b:s4+s3] =	stream.linear.scatter [tilespmem:s15], [sflag:$0x7], $0x4000, $0x38;
	[tilespmem:$0x14C80] =	vst v63  }
0x5d: {  	_ =	swait.ge [sflag:s24], $0x4000  }
0x5e: {  	[sflag:s24] =	ssyncset.done $0x0  }
0x5f: {  	s4 =	sadd.s32 $0xFFFFF000, s18;
	[sflag:s24] =	ssyncadd.s32 $0xFFFFC000  }
0x60: {  	[hbm4b:s4+s3] =	stream.linear.scatter [tilespmem:s17], [sflag:$0x8], $0x4000, $0x38;
	[tilespmem:$0x14C80] =	vst v63  }
0x61: {  	_ =	swait.ge [sflag:s25], $0x4000  }
0x62: {  	[sflag:s25] =	ssyncset.done $0x0  }
0x63: {  	s4 =	sadd.s32 $0xFFFFF800, s18;
	[sflag:s25] =	ssyncadd.s32 $0xFFFFC000  }
0x64: {  	[hbm4b:s4+s3] =	stream.linear.scatter [tilespmem:s19], [sflag:$0x9], $0x4000, $0x38;
	[tilespmem:$0x14C80] =	vst v63  }
0x65: {  	_ =	swait.ge [sflag:s26], $0x4000  }
0x66: {  	[sflag:s26] =	ssyncset.done $0x0  }
0x67: {  	[sflag:s26] =	ssyncadd.s32 $0xFFFFC000  }
0x68: {  	[hbm4b:s18+s3] =	stream.linear.scatter [tilespmem:s21], [sflag:$0xA], $0x4000, $0x38;
	[tilespmem:$0x14C80] =	vst v63  }
0x69: {  	_ =	swait.ge [sflag:s28], $0x4000  }
0x6a: {  	s4 =	sshra.s32 s20, $0x2;
	[sflag:s28] =	ssyncset.done $0x0  }
0x6b: {  	s20 =	sadd.s32 $0x280, s4;
	[sflag:s28] =	ssyncadd.s32 $0xFFFFC000  }
0x6c: {  	[tilespmem:s14], [sflag:$0x1] =	stream.indirect.gather [hbm4b:s1+s13], $0x80, s20, s13, $0xb8;
	[tilespmem:$0x14C80] =	vst v63  }
0x6d: {  	_ =	swait.ge [sflag:s29], $0x4000  }
0x6e: {  	[sflag:s29] =	ssyncset.done $0x0  }
0x6f: {  	s20 =	sadd.s32 $0x300, s4;
	[sflag:s29] =	ssyncadd.s32 $0xFFFFC000  }
0x70: {  	[tilespmem:s15], [sflag:$0x2] =	stream.indirect.gather [hbm4b:s1+s13], $0x80, s20, s13, $0xb8;
	[tilespmem:$0x14C80] =	vst v63  }
0x71: {  	_ =	swait.ge [sflag:s30], $0x4000  }
0x72: {  	[sflag:s30] =	ssyncset.done $0x0  }
0x73: {  	s20 =	sadd.s32 $0x380, s4;
	[sflag:s30] =	ssyncadd.s32 $0xFFFFC000  }
0x74: {  	[tilespmem:s17], [sflag:$0x3] =	stream.indirect.gather [hbm4b:s1+s13], $0x80, s20, s13, $0xb8;
	[tilespmem:$0x14C80] =	vst v63  }
0x75: {  	_ =	swait.ge [sflag:s31], $0x4000  }
0x76: {  	[sflag:s31] =	ssyncset.done $0x0  }
.Ltmp1:
0x77: {  	s20 =	sadd.s32 $0x400, s4;
	[sflag:s31] =	ssyncadd.s32 $0xFFFFC000;
	(pc) =	sbr.rel @p0 .LBB2_4-.Ltmp1, $4  }
0x78: {  	[tilespmem:s19], [sflag:$0x4] =	stream.indirect.gather [hbm4b:s1+s13], $0x80, s20, s13, $0xb8;
	[tilespmem:$0x14C80] =	vst v63  }
0x79: {  	_ =	swait.ge [sflag:s2], $0x4000  }
0x7a: {  	[sflag:s2] =	ssyncset.done $0x0  }
0x7b: {  	s18 =	sadd.s32 $0x2800, s18;
	s20 =	sadd.s32 $0x480, s4;
	[sflag:s2] =	ssyncadd.s32 $0xFFFFC000  }
0x7c: {  	[tilespmem:s21], [sflag:$0x5] =	stream.indirect.gather [hbm4b:s1+s13], $0x80, s20, s13, $0xb8;
	[tilespmem:$0x14C80] =	vst v63  }
0x7d: {  	_ =	swait.ge [sflag:s22], $0x4000  }
0x7e: {  	[sflag:s22] =	ssyncset.done $0x0  }
0x7f: {  	[sflag:s22] =	ssyncadd.s32 $0xFFFFC000  }
0x80: {  	[hbm4b:s5+s3] =	stream.linear.scatter [tilespmem:s14], [sflag:$0x6], $0x4000, $0x38;
	[tilespmem:$0x14C80] =	vst v63  }
0x81: {  	_ =	swait.ge [sflag:s23], $0x4000  }
0x82: {  	[sflag:s23] =	ssyncset.done $0x0  }
0x83: {  	[sflag:s23] =	ssyncadd.s32 $0xFFFFC000  }
0x84: {  	[hbm4b:s6+s3] =	stream.linear.scatter [tilespmem:s15], [sflag:$0x7], $0x4000, $0x38;
	[tilespmem:$0x14C80] =	vst v63  }
0x85: {  	_ =	swait.ge [sflag:s24], $0x4000  }
0x86: {  	[sflag:s24] =	ssyncset.done $0x0  }
0x87: {  	[sflag:s24] =	ssyncadd.s32 $0xFFFFC000  }
0x88: {  	[hbm4b:s7+s3] =	stream.linear.scatter [tilespmem:s17], [sflag:$0x8], $0x4000, $0x38;
	[tilespmem:$0x14C80] =	vst v63  }
0x89: {  	_ =	swait.ge [sflag:s25], $0x4000  }
0x8a: {  	[sflag:s25] =	ssyncset.done $0x0  }
0x8b: {  	[sflag:s25] =	ssyncadd.s32 $0xFFFFC000  }
0x8c: {  	[hbm4b:s8+s3] =	stream.linear.scatter [tilespmem:s19], [sflag:$0x9], $0x4000, $0x38;
	[tilespmem:$0x14C80] =	vst v63  }
0x8d: {  	_ =	swait.ge [sflag:s26], $0x4000  }
0x8e: {  	[sflag:s26] =	ssyncset.done $0x0  }
0x8f: {  	[sflag:s26] =	ssyncadd.s32 $0xFFFFC000  }
0x90: {  	[hbm4b:s9+s3] =	stream.linear.scatter [tilespmem:s21], [sflag:$0xA], $0x4000, $0x38;
	[tilespmem:$0x14C80] =	vst v63  }
0x91: {  	_ =	swait.ge [sflag:s28], $0x4000  }
0x92: {  	[sflag:s28] =	ssyncset.done $0x0  }
0x93: {  	[sflag:s28] =	ssyncadd.s32 $0xFFFFC000  }
0x94: {  	_ =	swait.ge [sflag:s29], $0x4000  }
0x95: {  	[sflag:s29] =	ssyncset.done $0x0  }
0x96: {  	[sflag:s29] =	ssyncadd.s32 $0xFFFFC000  }
0x97: {  	_ =	swait.ge [sflag:s30], $0x4000  }
0x98: {  	[sflag:s30] =	ssyncset.done $0x0  }
0x99: {  	s0 =	sadd.s32 $0x1, s0;
	[sflag:s30] =	ssyncadd.s32 $0xFFFFC000  }
0x9a: {  	p0 =	sne.s32 s0, s10;
	_ =	swait.ge [sflag:s31], $0x4000  }
.Ltmp2:
0x9b: {  	[sflag:s31] =	ssyncset.done $0x0;
	(pc) =	sbr.rel @p0 .LBB2_1-.Ltmp2, $4  }
0x9c: {  	[sflag:s31] =	ssyncadd.s32 $0xFFFFC000  }
0x9d: {  	_ =	swait.ge [sflag:s2], $0x4000  }
0x9e: {  	[sflag:s2] =	ssyncset.done $0x0  }
0x9f: {  	[sflag:s2] =	ssyncadd.s32 $0xFFFFC000  }
0xa0: {  	_ =	sfence.sel $0x180000  }
0xa1: {  	[bflag:$0x0] =	sbarrier.arrive $0xFFFF  }
0xa2: {  	_ =	strace $0x90000047  }
0xa3: {  	s0 =	stileid.u32;
	[bflag:$0x2] =	sbarrier.arrive $0xFFFF  }
0xa4: {  	p0 =	sne.s32 s0, $0x0;
	s0 =	rddreg [dreg:$0x3]  }
0xa5: {  	s0 =	sadd.s32 @!p0 $0x100000, s0  }
0xa6: {  	[sflag:s0] =	ssyncadd.tile.s32 @!p0 $0x1;
	_ =	shalt  }
.Lfunc_end2:
_tile_overlayer_lowered:
.L_overlay_start_2:
0xa7: {  	(tag) =	ssettag $0x2  }
0xa8: {  	s0 =	rddreg [dreg:$0x0];
	s2 =	stileid.u32  }
0xa9: {  	s1 =	rddreg [dreg:$0x1];
	p0 =	sne.s32 s2, $0x0  }
0xaa: {  	s3 =	rddreg [dreg:$0x2];
	[bflag:$0x3] =	sbarrier.arrive $0xFFFF;
	s2 =	simm.s32 @!p0 $0x1C0B  }
0xab: {  	[timem:s3], [sflag:s2] =	dma.local @!p0 [hbm:s0], s1  }
0xac: {  	s0 =	simm.s32 @!p0 $0xB  }
0xad: {  	_ =	swait.ge @!p0 [sflag:s0], s1  }
0xae: {  	s1 =	ssub.s32 @!p0 $0x0, s1;
	[sflag:s0] =	ssyncset.done @!p0 $0x0  }
0xaf: {  	[sflag:s0] =	ssyncadd.s32 @!p0 s1  }
0xb0: {  	[bflag:$0x3] =	sbarrier.arrive $0xFFFF  }
0xb1: {  	_ =	shalt  }

</sc_bundles>
